<compile_context>
chip_gen: v7x
topology: tpu7x:2x2x1
jax: 0.10.2.dev20260603
libtpu: 0.0.44.dev20260713+nightly
codegen_flags: <defaults>
</compile_context>

<pallas_src>
import functools

import jax
import jax.numpy as jnp
from jax import lax
from jax.experimental import pallas as pl
from jax.experimental.pallas import tpu as pltpu
from jax.experimental.pallas import tpu_sc as plsc

B = 4096
L = 200
V = 1000000
D = 64
H = 256
O = 64

NC = 2
NS = 16
NW = NC * NS
LPAD = 208
ROWS_PER_W = B // NW
NBUF = 4


def _pool_body(inp_hbm, emb_hbm, out_hbm, idx_v, bufs, stage, sems):
    wid = lax.axis_index("s") * NC + lax.axis_index("c")
    rbase = wid * ROWS_PER_W

    pltpu.sync_copy(inp_hbm.at[pl.ds(rbase, ROWS_PER_W)], idx_v)

    def fire(r, b):
        pltpu.async_copy(emb_hbm.at[idx_v.at[r]], bufs.at[b], sems.at[b])

    def wait(b):
        pltpu.make_async_copy(emb_hbm.at[idx_v.at[0]], bufs.at[b],
                              sems.at[b]).wait()

    for b in range(NBUF):
        fire(b, b)

    def acc_row(b):
        def body(t, acc):
            return tuple(acc[j] + bufs[b, t, pl.ds(16 * j, 16)]
                         for j in range(4))
        zero = jnp.zeros((16,), jnp.float32)
        return lax.fori_loop(0, LPAD, body, (zero,) * 4, unroll=8)

    NG = ROWS_PER_W // NBUF

    def grp_loop(g, carry):
        for b in range(NBUF):
            r = g * NBUF + b
            wait(b)
            acc = acc_row(b)
            for j in range(4):
                stage[r, pl.ds(16 * j, 16)] = acc[j]

            @pl.when(g < NG - 1)
            def _():
                fire(r + NBUF, b)
        return carry

    lax.fori_loop(0, NG, grp_loop, 0)

    pltpu.sync_copy(stage, out_hbm.at[pl.ds(rbase, ROWS_PER_W)])


_pool = functools.partial(
    pl.kernel,
    out_type=jax.ShapeDtypeStruct((B, D), jnp.float32),
    mesh=plsc.VectorSubcoreMesh(core_axis_name="c", subcore_axis_name="s"),
    scratch_types=[
        pltpu.VMEM((ROWS_PER_W, LPAD), jnp.int32),
        pltpu.VMEM((NBUF, LPAD, D), jnp.float32),
        pltpu.VMEM((ROWS_PER_W, D), jnp.float32),
        pltpu.SemaphoreType.DMA((NBUF,)),
    ],
    compiler_params=pltpu.CompilerParams(use_tc_tiling_on_sc=False),
)(_pool_body)


MLP_BLK = 512


def _mlp_body(sums_ref, inp_ref, sl_ref, pad_ref, emb0_ref, w1_ref, b1_ref,
              w2_ref, b2_ref, out_ref):
    is_pad = (inp_ref[...] == pad_ref[...]).astype(jnp.float32)
    cnt = jnp.sum(is_pad, axis=1, keepdims=True) + float(LPAD - L)
    avg = (sums_ref[...] - cnt * emb0_ref[...]) / sl_ref[...]
    h = jnp.dot(avg, w1_ref[...], preferred_element_type=jnp.float32)
    h = jnp.maximum(h + b1_ref[...], 0.0)
    out = jnp.dot(h, w2_ref[...], preferred_element_type=jnp.float32)
    out_ref[...] = out + b2_ref[...]


def _mlp(sums, inp, sl, pad, emb0, w1, b1, w2, b2):
    grid = (B // MLP_BLK,)
    return pl.pallas_call(
        _mlp_body,
        grid=grid,
        in_specs=[
            pl.BlockSpec((MLP_BLK, D), lambda i: (i, 0)),
            pl.BlockSpec((MLP_BLK, L), lambda i: (i, 0)),
            pl.BlockSpec((MLP_BLK, 1), lambda i: (i, 0)),
            pl.BlockSpec((1, 1), lambda i: (0, 0)),
            pl.BlockSpec((1, D), lambda i: (0, 0)),
            pl.BlockSpec((D, H), lambda i: (0, 0)),
            pl.BlockSpec((1, H), lambda i: (0, 0)),
            pl.BlockSpec((H, O), lambda i: (0, 0)),
            pl.BlockSpec((1, O), lambda i: (0, 0)),
        ],
        out_specs=pl.BlockSpec((MLP_BLK, O), lambda i: (i, 0)),
        out_shape=jax.ShapeDtypeStruct((B, O), jnp.float32),
    )(sums, inp, sl, pad, emb0, w1, b1, w2, b2)


def kernel(input, seq_lengths, pad_id, emb, W1, b1, W2, b2):
    pad_arr = jnp.asarray(pad_id, jnp.int32)
    inp_pad = jnp.pad(input, ((0, 0), (0, LPAD - L)), constant_values=pad_arr)
    sums = _pool(inp_pad, emb)
    sl = seq_lengths.astype(jnp.float32).reshape(B, 1)
    emb0 = lax.dynamic_slice_in_dim(emb, pad_arr, 1, axis=0)
    return _mlp(sums, input, sl, pad_arr.reshape(1, 1), emb0,
                W1, b1.reshape(1, H), W2, b2.reshape(1, O))

# --- scband reference (transcript-rebuilt; emitter-appended) ---
"""Pipeline reference for scband-feed-forward-mlpembed-re-31129922961954 (READ-ONLY COPY).

The authoritative reference and input builder live on the scoring server;
editing this copy changes nothing except your own understanding.
"""

import jax, jax.numpy as jnp
import numpy as np

B = 4096
L = 200
V = 1000000
D = 64
H = 256
O = 64


def setup_inputs(seed: int = 0) -> dict:
    key = jax.random.key(seed)
    k1, k2, k3, k4, k5, k6, k7 = jax.random.split(key, 7)
    inp = jax.random.randint(k1, (B, L), 0, V, dtype=jnp.int32)
    # sequence lengths must be >= 1 to avoid division by zero
    seq_lengths = jax.random.randint(k2, (B,), 1, L + 1, dtype=jnp.int32)
    emb = jax.random.normal(k3, (V, D), dtype=jnp.float32) * 0.02
    W1 = jax.random.normal(k4, (D, H), dtype=jnp.float32) * (1.0 / np.sqrt(D))
    b1 = jnp.zeros((H,), dtype=jnp.float32)
    W2 = jax.random.normal(k5, (H, O), dtype=jnp.float32) * (1.0 / np.sqrt(H))
    b2 = jnp.zeros((O,), dtype=jnp.float32)
    return {
        "input": inp,
        "seq_lengths": seq_lengths,
        "pad_id": 0,
        "emb": emb,
        "W1": W1,
        "b1": b1,
        "W2": W2,
        "b2": b2,
    }


def reference(input, seq_lengths, pad_id, emb, W1, b1, W2, b2):
    # embedding lookup (SparseCore gather)
    embedded = jnp.take(emb, input, axis=0)  # [B, L, D]
    mask = (input != pad_id).astype(jnp.float32)  # [B, L]
    expanded_mask = mask[:, :, None]  # broadcast over D
    masked_embedded = embedded * expanded_mask
    summation = masked_embedded.sum(axis=1)  # [B, D]
    sl = seq_lengths.astype(jnp.float32)[:, None]  # [B, 1]
    avg = summation / sl
    res = avg @ W1 + b1
    res = jax.nn.relu(res)
    res = res @ W2 + b2
    return res

if __name__ == "__main__":
    import jax
    _d = setup_inputs()
    print(jax.jit(kernel)(*tuple(_d.values())))

</pallas_src>

<mosaic_0001>
#map = affine_map<(d0, d1) -> (0, 0)>
module attributes {stable_mosaic.version = 14 : i64} {
  func.func @_pool_body(%arg0: i32, %arg1: i32, %arg2: memref<4096x208xi32, #tpu.memory_space<hbm>>, %arg3: memref<1000000x64xf32, #tpu.memory_space<hbm>>, %arg4: memref<4096x64xf32, #tpu.memory_space<hbm>>, %arg5: memref<128x208xi32, #tpu.memory_space<vmem>>, %arg6: memref<4x208x64xf32, #tpu.memory_space<vmem>>, %arg7: memref<128x64xf32, #tpu.memory_space<vmem>>, %arg8: memref<4x!tpu.dma_semaphore, #tpu.memory_space<semaphore_mem>>) attributes {dimension_semantics = [#tpu.dimension_semantics<core_parallel>, #tpu.dimension_semantics<subcore_parallel>], iteration_bounds = array<i64: 2, 16>, scalar_prefetch = 0 : i64, scratch_operands = 4 : i64, tpu.core_type = #tpu.core_type<sc_vector_subcore>, window_params = [{transform_indices = #map}, {transform_indices = #map}, {transform_indices = #map}]} {
    %mul3A = arith.constant 2 : i32
    %mul3A_0 = arith.muli %arg1, %mul3A : i32
    %add3A = arith.addi %mul3A_0, %arg0 : i32
    %mul3A_1 = arith.constant 128 : i32
    %mul3A_2 = arith.muli %add3A, %mul3A_1 : i32
    "tpu.region"() ({
      %run_scoped3A = tpu.sem_alloc : memref<!tpu.dma_semaphore, #tpu.memory_space<semaphore_mem>>
      %dma_start3A_67 = arith.constant 0 : i32
      %dma_start3A_68 = tpu.memref_slice %arg2[%mul3A_2, %dma_start3A_67] : memref<4096x208xi32, #tpu.memory_space<hbm>> -> memref<128x208xi32, #tpu.memory_space<hbm>>
      %dma_start3A_69 = arith.constant 0 : i32
      %dma_start3A_70 = tpu.memref_slice %arg2[%mul3A_2, %dma_start3A_69] : memref<4096x208xi32, #tpu.memory_space<hbm>> -> memref<128x208xi32, #tpu.memory_space<hbm>>
      tpu.enqueue_dma source(%dma_start3A_70 : memref<128x208xi32, #tpu.memory_space<hbm>>) target(%arg5 : memref<128x208xi32, #tpu.memory_space<vmem>>) target_semaphore(%run_scoped3A : memref<!tpu.dma_semaphore, #tpu.memory_space<semaphore_mem>>)
      %dma_wait3A = arith.constant 0 : i32
      %dma_wait3A_71 = tpu.memref_slice %arg2[%mul3A_2, %dma_wait3A] : memref<4096x208xi32, #tpu.memory_space<hbm>> -> memref<128x208xi32, #tpu.memory_space<hbm>>
      %dma_wait3A_72 = arith.constant 0 : i32
      %dma_wait3A_73 = tpu.memref_slice %arg2[%mul3A_2, %dma_wait3A_72] : memref<4096x208xi32, #tpu.memory_space<hbm>> -> memref<128x208xi32, #tpu.memory_space<hbm>>
      tpu.wait_dma2 semaphore(%run_scoped3A : memref<!tpu.dma_semaphore, #tpu.memory_space<semaphore_mem>>) src(%dma_wait3A_73 : memref<128x208xi32, #tpu.memory_space<hbm>>) dst(%arg5 : memref<128x208xi32, #tpu.memory_space<vmem>>)
      tpu.yield
    }) : () -> ()
    %dma_start3A = arith.constant 0 : i32
    %dma_start3A_3 = arith.constant 0 : i32
    %dma_start3A_4 = arith.constant 0 : i32
    %dma_start3A_5 = arith.constant 0 : i32
    %dma_start3A_6 = arith.constant 0 : i32
    %dma_start3A_7 = tpu.memref_slice %arg6[%dma_start3A_3, %dma_start3A_5, %dma_start3A_6] : memref<4x208x64xf32, #tpu.memory_space<vmem>> -> memref<1x208x64xf32, #tpu.memory_space<vmem>>
    %dma_start3A_8 = tpu.memref_squeeze %dma_start3A_7 : memref<1x208x64xf32, #tpu.memory_space<vmem>> -> memref<208x64xf32, #tpu.memory_space<vmem>>
    %dma_start3A_9 = arith.constant 0 : i32
    %dma_start3A_10 = tpu.memref_slice %arg5[%dma_start3A, %dma_start3A_9] : memref<128x208xi32, #tpu.memory_space<vmem>> -> memref<1x208xi32, #tpu.memory_space<vmem>>
    %dma_start3A_11 = tpu.memref_squeeze %dma_start3A_10 : memref<1x208xi32, #tpu.memory_space<vmem>> -> memref<208xi32, #tpu.memory_space<vmem>>
    %dma_start3A_12 = arith.constant 0 : i32
    %dma_start3A_13 = arith.constant 0 : i32
    %dma_start3A_14 = tpu.memref_slice %arg3[%dma_start3A_12, %dma_start3A_13] : memref<1000000x64xf32, #tpu.memory_space<hbm>> -> memref<1000000x64xf32, #tpu.memory_space<hbm>>
    %dma_start3A_15 = tpu.memref_slice %arg8[%dma_start3A_4] : memref<4x!tpu.dma_semaphore, #tpu.memory_space<semaphore_mem>> -> memref<1x!tpu.dma_semaphore, #tpu.memory_space<semaphore_mem>>
    %dma_start3A_16 = tpu.memref_squeeze %dma_start3A_15 : memref<1x!tpu.dma_semaphore, #tpu.memory_space<semaphore_mem>> -> memref<!tpu.dma_semaphore, #tpu.memory_space<semaphore_mem>>
    tpu.enqueue_indirect_dma source(%dma_start3A_14 : memref<1000000x64xf32, #tpu.memory_space<hbm>>) target(%dma_start3A_8 : memref<208x64xf32, #tpu.memory_space<vmem>>) offsets(%dma_start3A_11 : memref<208xi32, #tpu.memory_space<vmem>>) semaphore(%dma_start3A_16 : memref<!tpu.dma_semaphore, #tpu.memory_space<semaphore_mem>>)
    %dma_start3A_17 = arith.constant 1 : i32
    %dma_start3A_18 = arith.constant 1 : i32
    %dma_start3A_19 = arith.constant 1 : i32
    %dma_start3A_20 = arith.constant 0 : i32
    %dma_start3A_21 = arith.constant 0 : i32
    %dma_start3A_22 = tpu.memref_slice %arg6[%dma_start3A_18, %dma_start3A_20, %dma_start3A_21] : memref<4x208x64xf32, #tpu.memory_space<vmem>> -> memref<1x208x64xf32, #tpu.memory_space<vmem>>
    %dma_start3A_23 = tpu.memref_squeeze %dma_start3A_22 : memref<1x208x64xf32, #tpu.memory_space<vmem>> -> memref<208x64xf32, #tpu.memory_space<vmem>>
    %dma_start3A_24 = arith.constant 0 : i32
    %dma_start3A_25 = tpu.memref_slice %arg5[%dma_start3A_17, %dma_start3A_24] : memref<128x208xi32, #tpu.memory_space<vmem>> -> memref<1x208xi32, #tpu.memory_space<vmem>>
    %dma_start3A_26 = tpu.memref_squeeze %dma_start3A_25 : memref<1x208xi32, #tpu.memory_space<vmem>> -> memref<208xi32, #tpu.memory_space<vmem>>
    %dma_start3A_27 = arith.constant 0 : i32
    %dma_start3A_28 = arith.constant 0 : i32
    %dma_start3A_29 = tpu.memref_slice %arg3[%dma_start3A_27, %dma_start3A_28] : memref<1000000x64xf32, #tpu.memory_space<hbm>> -> memref<1000000x64xf32, #tpu.memory_space<hbm>>
    %dma_start3A_30 = tpu.memref_slice %arg8[%dma_start3A_19] : memref<4x!tpu.dma_semaphore, #tpu.memory_space<semaphore_mem>> -> memref<1x!tpu.dma_semaphore, #tpu.memory_space<semaphore_mem>>
    %dma_start3A_31 = tpu.memref_squeeze %dma_start3A_30 : memref<1x!tpu.dma_semaphore, #tpu.memory_space<semaphore_mem>> -> memref<!tpu.dma_semaphore, #tpu.memory_space<semaphore_mem>>
    tpu.enqueue_indirect_dma source(%dma_start3A_29 : memref<1000000x64xf32, #tpu.memory_space<hbm>>) target(%dma_start3A_23 : memref<208x64xf32, #tpu.memory_space<vmem>>) offsets(%dma_start3A_26 : memref<208xi32, #tpu.memory_space<vmem>>) semaphore(%dma_start3A_31 : memref<!tpu.dma_semaphore, #tpu.memory_space<semaphore_mem>>)
    %dma_start3A_32 = arith.constant 2 : i32
    %dma_start3A_33 = arith.constant 2 : i32
    %dma_start3A_34 = arith.constant 2 : i32
    %dma_start3A_35 = arith.constant 0 : i32
    %dma_start3A_36 = arith.constant 0 : i32
    %dma_start3A_37 = tpu.memref_slice %arg6[%dma_start3A_33, %dma_start3A_35, %dma_start3A_36] : memref<4x208x64xf32, #tpu.memory_space<vmem>> -> memref<1x208x64xf32, #tpu.memory_space<vmem>>
    %dma_start3A_38 = tpu.memref_squeeze %dma_start3A_37 : memref<1x208x64xf32, #tpu.memory_space<vmem>> -> memref<208x64xf32, #tpu.memory_space<vmem>>
    %dma_start3A_39 = arith.constant 0 : i32
    %dma_start3A_40 = tpu.memref_slice %arg5[%dma_start3A_32, %dma_start3A_39] : memref<128x208xi32, #tpu.memory_space<vmem>> -> memref<1x208xi32, #tpu.memory_space<vmem>>
    %dma_start3A_41 = tpu.memref_squeeze %dma_start3A_40 : memref<1x208xi32, #tpu.memory_space<vmem>> -> memref<208xi32, #tpu.memory_space<vmem>>
    %dma_start3A_42 = arith.constant 0 : i32
    %dma_start3A_43 = arith.constant 0 : i32
    %dma_start3A_44 = tpu.memref_slice %arg3[%dma_start3A_42, %dma_start3A_43] : memref<1000000x64xf32, #tpu.memory_space<hbm>> -> memref<1000000x64xf32, #tpu.memory_space<hbm>>
    %dma_start3A_45 = tpu.memref_slice %arg8[%dma_start3A_34] : memref<4x!tpu.dma_semaphore, #tpu.memory_space<semaphore_mem>> -> memref<1x!tpu.dma_semaphore, #tpu.memory_space<semaphore_mem>>
    %dma_start3A_46 = tpu.memref_squeeze %dma_start3A_45 : memref<1x!tpu.dma_semaphore, #tpu.memory_space<semaphore_mem>> -> memref<!tpu.dma_semaphore, #tpu.memory_space<semaphore_mem>>
    tpu.enqueue_indirect_dma source(%dma_start3A_44 : memref<1000000x64xf32, #tpu.memory_space<hbm>>) target(%dma_start3A_38 : memref<208x64xf32, #tpu.memory_space<vmem>>) offsets(%dma_start3A_41 : memref<208xi32, #tpu.memory_space<vmem>>) semaphore(%dma_start3A_46 : memref<!tpu.dma_semaphore, #tpu.memory_space<semaphore_mem>>)
    %dma_start3A_47 = arith.constant 3 : i32
    %dma_start3A_48 = arith.constant 3 : i32
    %dma_start3A_49 = arith.constant 3 : i32
    %dma_start3A_50 = arith.constant 0 : i32
    %dma_start3A_51 = arith.constant 0 : i32
    %dma_start3A_52 = tpu.memref_slice %arg6[%dma_start3A_48, %dma_start3A_50, %dma_start3A_51] : memref<4x208x64xf32, #tpu.memory_space<vmem>> -> memref<1x208x64xf32, #tpu.memory_space<vmem>>
    %dma_start3A_53 = tpu.memref_squeeze %dma_start3A_52 : memref<1x208x64xf32, #tpu.memory_space<vmem>> -> memref<208x64xf32, #tpu.memory_space<vmem>>
    %dma_start3A_54 = arith.constant 0 : i32
    %dma_start3A_55 = tpu.memref_slice %arg5[%dma_start3A_47, %dma_start3A_54] : memref<128x208xi32, #tpu.memory_space<vmem>> -> memref<1x208xi32, #tpu.memory_space<vmem>>
    %dma_start3A_56 = tpu.memref_squeeze %dma_start3A_55 : memref<1x208xi32, #tpu.memory_space<vmem>> -> memref<208xi32, #tpu.memory_space<vmem>>
    %dma_start3A_57 = arith.constant 0 : i32
    %dma_start3A_58 = arith.constant 0 : i32
    %dma_start3A_59 = tpu.memref_slice %arg3[%dma_start3A_57, %dma_start3A_58] : memref<1000000x64xf32, #tpu.memory_space<hbm>> -> memref<1000000x64xf32, #tpu.memory_space<hbm>>
    %dma_start3A_60 = tpu.memref_slice %arg8[%dma_start3A_49] : memref<4x!tpu.dma_semaphore, #tpu.memory_space<semaphore_mem>> -> memref<1x!tpu.dma_semaphore, #tpu.memory_space<semaphore_mem>>
    %dma_start3A_61 = tpu.memref_squeeze %dma_start3A_60 : memref<1x!tpu.dma_semaphore, #tpu.memory_space<semaphore_mem>> -> memref<!tpu.dma_semaphore, #tpu.memory_space<semaphore_mem>>
    tpu.enqueue_indirect_dma source(%dma_start3A_59 : memref<1000000x64xf32, #tpu.memory_space<hbm>>) target(%dma_start3A_53 : memref<208x64xf32, #tpu.memory_space<vmem>>) offsets(%dma_start3A_56 : memref<208xi32, #tpu.memory_space<vmem>>) semaphore(%dma_start3A_61 : memref<!tpu.dma_semaphore, #tpu.memory_space<semaphore_mem>>)
    %scan3A = arith.constant 0 : i32
    %scan3A_62 = arith.constant 0 : i32
    %scan3A_63 = arith.constant 32 : i32
    %scan3A_64 = arith.addi %scan3A_62, %scan3A_63 : i32
    %scan3A_65 = arith.constant 1 : i32
    scf.for %scan3A_67 = %scan3A_62 to %scan3A_64 step %scan3A_65  : i32 {
      %mul3A_68 = arith.constant 4 : i32
      %mul3A_69 = arith.muli %scan3A_67, %mul3A_68 : i32
      %add3A_70 = arith.constant 0 : i32
      %add3A_71 = arith.addi %mul3A_69, %add3A_70 : i32
      %dma_wait3A = arith.constant 0 : i32
      %dma_wait3A_72 = arith.constant 0 : i32
      %dma_wait3A_73 = arith.constant 0 : i32
      %dma_wait3A_74 = arith.constant 0 : i32
      %dma_wait3A_75 = arith.constant 0 : i32
      %dma_wait3A_76 = tpu.memref_slice %arg6[%dma_wait3A_72, %dma_wait3A_74, %dma_wait3A_75] : memref<4x208x64xf32, #tpu.memory_space<vmem>> -> memref<1x208x64xf32, #tpu.memory_space<vmem>>
      %dma_wait3A_77 = tpu.memref_squeeze %dma_wait3A_76 : memref<1x208x64xf32, #tpu.memory_space<vmem>> -> memref<208x64xf32, #tpu.memory_space<vmem>>
      %dma_wait3A_78 = arith.constant 0 : i32
      %dma_wait3A_79 = tpu.memref_slice %arg5[%dma_wait3A, %dma_wait3A_78] : memref<128x208xi32, #tpu.memory_space<vmem>> -> memref<1x208xi32, #tpu.memory_space<vmem>>
      %dma_wait3A_80 = tpu.memref_squeeze %dma_wait3A_79 : memref<1x208xi32, #tpu.memory_space<vmem>> -> memref<208xi32, #tpu.memory_space<vmem>>
      %dma_wait3A_81 = arith.constant 0 : i32
      %dma_wait3A_82 = arith.constant 0 : i32
      %dma_wait3A_83 = tpu.memref_slice %arg3[%dma_wait3A_81, %dma_wait3A_82] : memref<1000000x64xf32, #tpu.memory_space<hbm>> -> memref<1000000x64xf32, #tpu.memory_space<hbm>>
      %dma_wait3A_84 = tpu.memref_slice %arg8[%dma_wait3A_73] : memref<4x!tpu.dma_semaphore, #tpu.memory_space<semaphore_mem>> -> memref<1x!tpu.dma_semaphore, #tpu.memory_space<semaphore_mem>>
      %dma_wait3A_85 = tpu.memref_squeeze %dma_wait3A_84 : memref<1x!tpu.dma_semaphore, #tpu.memory_space<semaphore_mem>> -> memref<!tpu.dma_semaphore, #tpu.memory_space<semaphore_mem>>
      tpu.wait_indirect_dma semaphore(%dma_wait3A_85 : memref<!tpu.dma_semaphore, #tpu.memory_space<semaphore_mem>>) src(%dma_wait3A_83 : memref<1000000x64xf32, #tpu.memory_space<hbm>>) dst(%dma_wait3A_77 : memref<208x64xf32, #tpu.memory_space<vmem>>)
      %broadcast_in_dim3A = arith.constant 0.000000e+00 : f32
      %broadcast_in_dim3A_86 = vector.broadcast %broadcast_in_dim3A : f32 to vector<16xf32>
      %scan3A_87 = arith.constant 0 : i32
      %scan3A_88 = arith.constant 208 : i32
      %scan3A_89 = arith.addi %scan3A_87, %scan3A_88 : i32
      %scan3A_90 = arith.constant 8 : i32
      %scan3A_91:4 = scf.for %scan3A_270 = %scan3A_87 to %scan3A_89 step %scan3A_90 iter_args(%scan3A_271 = %broadcast_in_dim3A_86, %scan3A_272 = %broadcast_in_dim3A_86, %scan3A_273 = %broadcast_in_dim3A_86, %scan3A_274 = %broadcast_in_dim3A_86) -> (vector<16xf32>, vector<16xf32>, vector<16xf32>, vector<16xf32>)  : i32 {
        %get3A = arith.constant 0 : i32
        %get3A_275 = arith.index_cast %get3A : i32 to index
        %get3A_276 = arith.index_cast %scan3A_270 : i32 to index
        %get3A_277 = arith.constant 0 : index
        %get3A_278 = tpu.vector_load %arg6[%get3A_275, %get3A_276, %get3A_277] {strides = array<i32>} : memref<4x208x64xf32, #tpu.memory_space<vmem>>, vector<1x1x16xf32>,
        %get3A_279 = vector.shape_cast %get3A_278 : vector<1x1x16xf32> to vector<16xf32>
        %add3A_280 = arith.addf %scan3A_271, %get3A_279 : vector<16xf32>
        %get3A_281 = arith.constant 0 : i32
        %get3A_282 = arith.index_cast %get3A_281 : i32 to index
        %get3A_283 = arith.index_cast %scan3A_270 : i32 to index
        %get3A_284 = arith.constant 16 : index
        %get3A_285 = tpu.vector_load %arg6[%get3A_282, %get3A_283, %get3A_284] {strides = array<i32>} : memref<4x208x64xf32, #tpu.memory_space<vmem>>, vector<1x1x16xf32>,
        %get3A_286 = vector.shape_cast %get3A_285 : vector<1x1x16xf32> to vector<16xf32>
        %add3A_287 = arith.addf %scan3A_272, %get3A_286 : vector<16xf32>
        %get3A_288 = arith.constant 0 : i32
        %get3A_289 = arith.index_cast %get3A_288 : i32 to index
        %get3A_290 = arith.index_cast %scan3A_270 : i32 to index
        %get3A_291 = arith.constant 32 : index
        %get3A_292 = tpu.vector_load %arg6[%get3A_289, %get3A_290, %get3A_291] {strides = array<i32>} : memref<4x208x64xf32, #tpu.memory_space<vmem>>, vector<1x1x16xf32>,
        %get3A_293 = vector.shape_cast %get3A_292 : vector<1x1x16xf32> to vector<16xf32>
        %add3A_294 = arith.addf %scan3A_273, %get3A_293 : vector<16xf32>
        %get3A_295 = arith.constant 0 : i32
        %get3A_296 = arith.index_cast %get3A_295 : i32 to index
        %get3A_297 = arith.index_cast %scan3A_270 : i32 to index
        %get3A_298 = arith.constant 48 : index
        %get3A_299 = tpu.vector_load %arg6[%get3A_296, %get3A_297, %get3A_298] {strides = array<i32>} : memref<4x208x64xf32, #tpu.memory_space<vmem>>, vector<1x1x16xf32>,
        %get3A_300 = vector.shape_cast %get3A_299 : vector<1x1x16xf32> to vector<16xf32>
        %add3A_301 = arith.addf %scan3A_274, %get3A_300 : vector<16xf32>
        %scan3A_302 = arith.constant 1 : i32
        %scan3A_303 = arith.addi %scan3A_270, %scan3A_302 : i32
        %get3A_304 = arith.constant 0 : i32
        %get3A_305 = arith.index_cast %get3A_304 : i32 to index
        %get3A_306 = arith.index_cast %scan3A_303 : i32 to index
        %get3A_307 = arith.constant 0 : index
        %get3A_308 = tpu.vector_load %arg6[%get3A_305, %get3A_306, %get3A_307] {strides = array<i32>} : memref<4x208x64xf32, #tpu.memory_space<vmem>>, vector<1x1x16xf32>,
        %get3A_309 = vector.shape_cast %get3A_308 : vector<1x1x16xf32> to vector<16xf32>
        %add3A_310 = arith.addf %add3A_280, %get3A_309 : vector<16xf32>
        %get3A_311 = arith.constant 0 : i32
        %get3A_312 = arith.index_cast %get3A_311 : i32 to index
        %get3A_313 = arith.index_cast %scan3A_303 : i32 to index
        %get3A_314 = arith.constant 16 : index
        %get3A_315 = tpu.vector_load %arg6[%get3A_312, %get3A_313, %get3A_314] {strides = array<i32>} : memref<4x208x64xf32, #tpu.memory_space<vmem>>, vector<1x1x16xf32>,
        %get3A_316 = vector.shape_cast %get3A_315 : vector<1x1x16xf32> to vector<16xf32>
        %add3A_317 = arith.addf %add3A_287, %get3A_316 : vector<16xf32>
        %get3A_318 = arith.constant 0 : i32
        %get3A_319 = arith.index_cast %get3A_318 : i32 to index
        %get3A_320 = arith.index_cast %scan3A_303 : i32 to index
        %get3A_321 = arith.constant 32 : index
        %get3A_322 = tpu.vector_load %arg6[%get3A_319, %get3A_320, %get3A_321] {strides = array<i32>} : memref<4x208x64xf32, #tpu.memory_space<vmem>>, vector<1x1x16xf32>,
        %get3A_323 = vector.shape_cast %get3A_322 : vector<1x1x16xf32> to vector<16xf32>
        %add3A_324 = arith.addf %add3A_294, %get3A_323 : vector<16xf32>
        %get3A_325 = arith.constant 0 : i32
        %get3A_326 = arith.index_cast %get3A_325 : i32 to index
        %get3A_327 = arith.index_cast %scan3A_303 : i32 to index
        %get3A_328 = arith.constant 48 : index
        %get3A_329 = tpu.vector_load %arg6[%get3A_326, %get3A_327, %get3A_328] {strides = array<i32>} : memref<4x208x64xf32, #tpu.memory_space<vmem>>, vector<1x1x16xf32>,
        %get3A_330 = vector.shape_cast %get3A_329 : vector<1x1x16xf32> to vector<16xf32>
        %add3A_331 = arith.addf %add3A_301, %get3A_330 : vector<16xf32>
        %scan3A_332 = arith.constant 2 : i32
        %scan3A_333 = arith.addi %scan3A_270, %scan3A_332 : i32
        %get3A_334 = arith.constant 0 : i32
        %get3A_335 = arith.index_cast %get3A_334 : i32 to index
        %get3A_336 = arith.index_cast %scan3A_333 : i32 to index
        %get3A_337 = arith.constant 0 : index
        %get3A_338 = tpu.vector_load %arg6[%get3A_335, %get3A_336, %get3A_337] {strides = array<i32>} : memref<4x208x64xf32, #tpu.memory_space<vmem>>, vector<1x1x16xf32>,
        %get3A_339 = vector.shape_cast %get3A_338 : vector<1x1x16xf32> to vector<16xf32>
        %add3A_340 = arith.addf %add3A_310, %get3A_339 : vector<16xf32>
        %get3A_341 = arith.constant 0 : i32
        %get3A_342 = arith.index_cast %get3A_341 : i32 to index
        %get3A_343 = arith.index_cast %scan3A_333 : i32 to index
        %get3A_344 = arith.constant 16 : index
        %get3A_345 = tpu.vector_load %arg6[%get3A_342, %get3A_343, %get3A_344] {strides = array<i32>} : memref<4x208x64xf32, #tpu.memory_space<vmem>>, vector<1x1x16xf32>,
        %get3A_346 = vector.shape_cast %get3A_345 : vector<1x1x16xf32> to vector<16xf32>
        %add3A_347 = arith.addf %add3A_317, %get3A_346 : vector<16xf32>
        %get3A_348 = arith.constant 0 : i32
        %get3A_349 = arith.index_cast %get3A_348 : i32 to index
        %get3A_350 = arith.index_cast %scan3A_333 : i32 to index
        %get3A_351 = arith.constant 32 : index
        %get3A_352 = tpu.vector_load %arg6[%get3A_349, %get3A_350, %get3A_351] {strides = array<i32>} : memref<4x208x64xf32, #tpu.memory_space<vmem>>, vector<1x1x16xf32>,
        %get3A_353 = vector.shape_cast %get3A_352 : vector<1x1x16xf32> to vector<16xf32>
        %add3A_354 = arith.addf %add3A_324, %get3A_353 : vector<16xf32>
        %get3A_355 = arith.constant 0 : i32
        %get3A_356 = arith.index_cast %get3A_355 : i32 to index
        %get3A_357 = arith.index_cast %scan3A_333 : i32 to index
        %get3A_358 = arith.constant 48 : index
        %get3A_359 = tpu.vector_load %arg6[%get3A_356, %get3A_357, %get3A_358] {strides = array<i32>} : memref<4x208x64xf32, #tpu.memory_space<vmem>>, vector<1x1x16xf32>,
        %get3A_360 = vector.shape_cast %get3A_359 : vector<1x1x16xf32> to vector<16xf32>
        %add3A_361 = arith.addf %add3A_331, %get3A_360 : vector<16xf32>
        %scan3A_362 = arith.constant 3 : i32
        %scan3A_363 = arith.addi %scan3A_270, %scan3A_362 : i32
        %get3A_364 = arith.constant 0 : i32
        %get3A_365 = arith.index_cast %get3A_364 : i32 to index
        %get3A_366 = arith.index_cast %scan3A_363 : i32 to index
        %get3A_367 = arith.constant 0 : index
        %get3A_368 = tpu.vector_load %arg6[%get3A_365, %get3A_366, %get3A_367] {strides = array<i32>} : memref<4x208x64xf32, #tpu.memory_space<vmem>>, vector<1x1x16xf32>,
        %get3A_369 = vector.shape_cast %get3A_368 : vector<1x1x16xf32> to vector<16xf32>
        %add3A_370 = arith.addf %add3A_340, %get3A_369 : vector<16xf32>
        %get3A_371 = arith.constant 0 : i32
        %get3A_372 = arith.index_cast %get3A_371 : i32 to index
        %get3A_373 = arith.index_cast %scan3A_363 : i32 to index
        %get3A_374 = arith.constant 16 : index
        %get3A_375 = tpu.vector_load %arg6[%get3A_372, %get3A_373, %get3A_374] {strides = array<i32>} : memref<4x208x64xf32, #tpu.memory_space<vmem>>, vector<1x1x16xf32>,
        %get3A_376 = vector.shape_cast %get3A_375 : vector<1x1x16xf32> to vector<16xf32>
        %add3A_377 = arith.addf %add3A_347, %get3A_376 : vector<16xf32>
        %get3A_378 = arith.constant 0 : i32
        %get3A_379 = arith.index_cast %get3A_378 : i32 to index
        %get3A_380 = arith.index_cast %scan3A_363 : i32 to index
        %get3A_381 = arith.constant 32 : index
        %get3A_382 = tpu.vector_load %arg6[%get3A_379, %get3A_380, %get3A_381] {strides = array<i32>} : memref<4x208x64xf32, #tpu.memory_space<vmem>>, vector<1x1x16xf32>,
        %get3A_383 = vector.shape_cast %get3A_382 : vector<1x1x16xf32> to vector<16xf32>
        %add3A_384 = arith.addf %add3A_354, %get3A_383 : vector<16xf32>
        %get3A_385 = arith.constant 0 : i32
        %get3A_386 = arith.index_cast %get3A_385 : i32 to index
        %get3A_387 = arith.index_cast %scan3A_363 : i32 to index
        %get3A_388 = arith.constant 48 : index
        %get3A_389 = tpu.vector_load %arg6[%get3A_386, %get3A_387, %get3A_388] {strides = array<i32>} : memref<4x208x64xf32, #tpu.memory_space<vmem>>, vector<1x1x16xf32>,
        %get3A_390 = vector.shape_cast %get3A_389 : vector<1x1x16xf32> to vector<16xf32>
        %add3A_391 = arith.addf %add3A_361, %get3A_390 : vector<16xf32>
        %scan3A_392 = arith.constant 4 : i32
        %scan3A_393 = arith.addi %scan3A_270, %scan3A_392 : i32
        %get3A_394 = arith.constant 0 : i32
        %get3A_395 = arith.index_cast %get3A_394 : i32 to index
        %get3A_396 = arith.index_cast %scan3A_393 : i32 to index
        %get3A_397 = arith.constant 0 : index
        %get3A_398 = tpu.vector_load %arg6[%get3A_395, %get3A_396, %get3A_397] {strides = array<i32>} : memref<4x208x64xf32, #tpu.memory_space<vmem>>, vector<1x1x16xf32>,
        %get3A_399 = vector.shape_cast %get3A_398 : vector<1x1x16xf32> to vector<16xf32>
        %add3A_400 = arith.addf %add3A_370, %get3A_399 : vector<16xf32>
        %get3A_401 = arith.constant 0 : i32
        %get3A_402 = arith.index_cast %get3A_401 : i32 to index
        %get3A_403 = arith.index_cast %scan3A_393 : i32 to index
        %get3A_404 = arith.constant 16 : index
        %get3A_405 = tpu.vector_load %arg6[%get3A_402, %get3A_403, %get3A_404] {strides = array<i32>} : memref<4x208x64xf32, #tpu.memory_space<vmem>>, vector<1x1x16xf32>,
        %get3A_406 = vector.shape_cast %get3A_405 : vector<1x1x16xf32> to vector<16xf32>
        %add3A_407 = arith.addf %add3A_377, %get3A_406 : vector<16xf32>
        %get3A_408 = arith.constant 0 : i32
        %get3A_409 = arith.index_cast %get3A_408 : i32 to index
        %get3A_410 = arith.index_cast %scan3A_393 : i32 to index
        %get3A_411 = arith.constant 32 : index
        %get3A_412 = tpu.vector_load %arg6[%get3A_409, %get3A_410, %get3A_411] {strides = array<i32>} : memref<4x208x64xf32, #tpu.memory_space<vmem>>, vector<1x1x16xf32>,
        %get3A_413 = vector.shape_cast %get3A_412 : vector<1x1x16xf32> to vector<16xf32>
        %add3A_414 = arith.addf %add3A_384, %get3A_413 : vector<16xf32>
        %get3A_415 = arith.constant 0 : i32
        %get3A_416 = arith.index_cast %get3A_415 : i32 to index
        %get3A_417 = arith.index_cast %scan3A_393 : i32 to index
        %get3A_418 = arith.constant 48 : index
        %get3A_419 = tpu.vector_load %arg6[%get3A_416, %get3A_417, %get3A_418] {strides = array<i32>} : memref<4x208x64xf32, #tpu.memory_space<vmem>>, vector<1x1x16xf32>,
        %get3A_420 = vector.shape_cast %get3A_419 : vector<1x1x16xf32> to vector<16xf32>
        %add3A_421 = arith.addf %add3A_391, %get3A_420 : vector<16xf32>
        %scan3A_422 = arith.constant 5 : i32
        %scan3A_423 = arith.addi %scan3A_270, %scan3A_422 : i32
        %get3A_424 = arith.constant 0 : i32
        %get3A_425 = arith.index_cast %get3A_424 : i32 to index
        %get3A_426 = arith.index_cast %scan3A_423 : i32 to index
        %get3A_427 = arith.constant 0 : index
        %get3A_428 = tpu.vector_load %arg6[%get3A_425, %get3A_426, %get3A_427] {strides = array<i32>} : memref<4x208x64xf32, #tpu.memory_space<vmem>>, vector<1x1x16xf32>,
        %get3A_429 = vector.shape_cast %get3A_428 : vector<1x1x16xf32> to vector<16xf32>
        %add3A_430 = arith.addf %add3A_400, %get3A_429 : vector<16xf32>
        %get3A_431 = arith.constant 0 : i32
        %get3A_432 = arith.index_cast %get3A_431 : i32 to index
        %get3A_433 = arith.index_cast %scan3A_423 : i32 to index
        %get3A_434 = arith.constant 16 : index
        %get3A_435 = tpu.vector_load %arg6[%get3A_432, %get3A_433, %get3A_434] {strides = array<i32>} : memref<4x208x64xf32, #tpu.memory_space<vmem>>, vector<1x1x16xf32>,
        %get3A_436 = vector.shape_cast %get3A_435 : vector<1x1x16xf32> to vector<16xf32>
        %add3A_437 = arith.addf %add3A_407, %get3A_436 : vector<16xf32>
        %get3A_438 = arith.constant 0 : i32
        %get3A_439 = arith.index_cast %get3A_438 : i32 to index
        %get3A_440 = arith.index_cast %scan3A_423 : i32 to index
        %get3A_441 = arith.constant 32 : index
        %get3A_442 = tpu.vector_load %arg6[%get3A_439, %get3A_440, %get3A_441] {strides = array<i32>} : memref<4x208x64xf32, #tpu.memory_space<vmem>>, vector<1x1x16xf32>,
        %get3A_443 = vector.shape_cast %get3A_442 : vector<1x1x16xf32> to vector<16xf32>
        %add3A_444 = arith.addf %add3A_414, %get3A_443 : vector<16xf32>
        %get3A_445 = arith.constant 0 : i32
        %get3A_446 = arith.index_cast %get3A_445 : i32 to index
        %get3A_447 = arith.index_cast %scan3A_423 : i32 to index
        %get3A_448 = arith.constant 48 : index
        %get3A_449 = tpu.vector_load %arg6[%get3A_446, %get3A_447, %get3A_448] {strides = array<i32>} : memref<4x208x64xf32, #tpu.memory_space<vmem>>, vector<1x1x16xf32>,
        %get3A_450 = vector.shape_cast %get3A_449 : vector<1x1x16xf32> to vector<16xf32>
        %add3A_451 = arith.addf %add3A_421, %get3A_450 : vector<16xf32>
        %scan3A_452 = arith.constant 6 : i32
        %scan3A_453 = arith.addi %scan3A_270, %scan3A_452 : i32
        %get3A_454 = arith.constant 0 : i32
        %get3A_455 = arith.index_cast %get3A_454 : i32 to index
        %get3A_456 = arith.index_cast %scan3A_453 : i32 to index
        %get3A_457 = arith.constant 0 : index
        %get3A_458 = tpu.vector_load %arg6[%get3A_455, %get3A_456, %get3A_457] {strides = array<i32>} : memref<4x208x64xf32, #tpu.memory_space<vmem>>, vector<1x1x16xf32>,
        %get3A_459 = vector.shape_cast %get3A_458 : vector<1x1x16xf32> to vector<16xf32>
        %add3A_460 = arith.addf %add3A_430, %get3A_459 : vector<16xf32>
        %get3A_461 = arith.constant 0 : i32
        %get3A_462 = arith.index_cast %get3A_461 : i32 to index
        %get3A_463 = arith.index_cast %scan3A_453 : i32 to index
        %get3A_464 = arith.constant 16 : index
        %get3A_465 = tpu.vector_load %arg6[%get3A_462, %get3A_463, %get3A_464] {strides = array<i32>} : memref<4x208x64xf32, #tpu.memory_space<vmem>>, vector<1x1x16xf32>,
        %get3A_466 = vector.shape_cast %get3A_465 : vector<1x1x16xf32> to vector<16xf32>
        %add3A_467 = arith.addf %add3A_437, %get3A_466 : vector<16xf32>
        %get3A_468 = arith.constant 0 : i32
        %get3A_469 = arith.index_cast %get3A_468 : i32 to index
        %get3A_470 = arith.index_cast %scan3A_453 : i32 to index
        %get3A_471 = arith.constant 32 : index
        %get3A_472 = tpu.vector_load %arg6[%get3A_469, %get3A_470, %get3A_471] {strides = array<i32>} : memref<4x208x64xf32, #tpu.memory_space<vmem>>, vector<1x1x16xf32>,
        %get3A_473 = vector.shape_cast %get3A_472 : vector<1x1x16xf32> to vector<16xf32>
        %add3A_474 = arith.addf %add3A_444, %get3A_473 : vector<16xf32>
        %get3A_475 = arith.constant 0 : i32
        %get3A_476 = arith.index_cast %get3A_475 : i32 to index
        %get3A_477 = arith.index_cast %scan3A_453 : i32 to index
        %get3A_478 = arith.constant 48 : index
        %get3A_479 = tpu.vector_load %arg6[%get3A_476, %get3A_477, %get3A_478] {strides = array<i32>} : memref<4x208x64xf32, #tpu.memory_space<vmem>>, vector<1x1x16xf32>,
        %get3A_480 = vector.shape_cast %get3A_479 : vector<1x1x16xf32> to vector<16xf32>
        %add3A_481 = arith.addf %add3A_451, %get3A_480 : vector<16xf32>
        %scan3A_482 = arith.constant 7 : i32
        %scan3A_483 = arith.addi %scan3A_270, %scan3A_482 : i32
        %get3A_484 = arith.constant 0 : i32
        %get3A_485 = arith.index_cast %get3A_484 : i32 to index
        %get3A_486 = arith.index_cast %scan3A_483 : i32 to index
        %get3A_487 = arith.constant 0 : index
        %get3A_488 = tpu.vector_load %arg6[%get3A_485, %get3A_486, %get3A_487] {strides = array<i32>} : memref<4x208x64xf32, #tpu.memory_space<vmem>>, vector<1x1x16xf32>,
        %get3A_489 = vector.shape_cast %get3A_488 : vector<1x1x16xf32> to vector<16xf32>
        %add3A_490 = arith.addf %add3A_460, %get3A_489 : vector<16xf32>
        %get3A_491 = arith.constant 0 : i32
        %get3A_492 = arith.index_cast %get3A_491 : i32 to index
        %get3A_493 = arith.index_cast %scan3A_483 : i32 to index
        %get3A_494 = arith.constant 16 : index
        %get3A_495 = tpu.vector_load %arg6[%get3A_492, %get3A_493, %get3A_494] {strides = array<i32>} : memref<4x208x64xf32, #tpu.memory_space<vmem>>, vector<1x1x16xf32>,
        %get3A_496 = vector.shape_cast %get3A_495 : vector<1x1x16xf32> to vector<16xf32>
        %add3A_497 = arith.addf %add3A_467, %get3A_496 : vector<16xf32>
        %get3A_498 = arith.constant 0 : i32
        %get3A_499 = arith.index_cast %get3A_498 : i32 to index
        %get3A_500 = arith.index_cast %scan3A_483 : i32 to index
        %get3A_501 = arith.constant 32 : index
        %get3A_502 = tpu.vector_load %arg6[%get3A_499, %get3A_500, %get3A_501] {strides = array<i32>} : memref<4x208x64xf32, #tpu.memory_space<vmem>>, vector<1x1x16xf32>,
        %get3A_503 = vector.shape_cast %get3A_502 : vector<1x1x16xf32> to vector<16xf32>
        %add3A_504 = arith.addf %add3A_474, %get3A_503 : vector<16xf32>
        %get3A_505 = arith.constant 0 : i32
        %get3A_506 = arith.index_cast %get3A_505 : i32 to index
        %get3A_507 = arith.index_cast %scan3A_483 : i32 to index
        %get3A_508 = arith.constant 48 : index
        %get3A_509 = tpu.vector_load %arg6[%get3A_506, %get3A_507, %get3A_508] {strides = array<i32>} : memref<4x208x64xf32, #tpu.memory_space<vmem>>, vector<1x1x16xf32>,
        %get3A_510 = vector.shape_cast %get3A_509 : vector<1x1x16xf32> to vector<16xf32>
        %add3A_511 = arith.addf %add3A_481, %get3A_510 : vector<16xf32>
        scf.yield %add3A_490, %add3A_497, %add3A_504, %add3A_511 : vector<16xf32>, vector<16xf32>, vector<16xf32>, vector<16xf32>
      }
      %scan3A_92 = arith.constant 208 : i32
      %swap3A = arith.index_cast %add3A_71 : i32 to index
      %swap3A_93 = arith.constant 0 : index
      %swap3A_94 = tpu.vector_load %arg7[%swap3A, %swap3A_93] {strides = array<i32>} : memref<128x64xf32, #tpu.memory_space<vmem>>, vector<1x16xf32>,
      %swap3A_95 = vector.shape_cast %swap3A_94 : vector<1x16xf32> to vector<16xf32>
      %swap3A_96 = vector.shape_cast %scan3A_91#0 : vector<16xf32> to vector<1x16xf32>
      tpu.vector_store %arg7[%swap3A, %swap3A_93], %swap3A_96 {strides = array<i32>} : memref<128x64xf32, #tpu.memory_space<vmem>>, vector<1x16xf32>,
      %swap3A_97 = arith.index_cast %add3A_71 : i32 to index
      %swap3A_98 = arith.constant 16 : index
      %swap3A_99 = tpu.vector_load %arg7[%swap3A_97, %swap3A_98] {strides = array<i32>} : memref<128x64xf32, #tpu.memory_space<vmem>>, vector<1x16xf32>,
      %swap3A_100 = vector.shape_cast %swap3A_99 : vector<1x16xf32> to vector<16xf32>
      %swap3A_101 = vector.shape_cast %scan3A_91#1 : vector<16xf32> to vector<1x16xf32>
      tpu.vector_store %arg7[%swap3A_97, %swap3A_98], %swap3A_101 {strides = array<i32>} : memref<128x64xf32, #tpu.memory_space<vmem>>, vector<1x16xf32>,
      %swap3A_102 = arith.index_cast %add3A_71 : i32 to index
      %swap3A_103 = arith.constant 32 : index
      %swap3A_104 = tpu.vector_load %arg7[%swap3A_102, %swap3A_103] {strides = array<i32>} : memref<128x64xf32, #tpu.memory_space<vmem>>, vector<1x16xf32>,
      %swap3A_105 = vector.shape_cast %swap3A_104 : vector<1x16xf32> to vector<16xf32>
      %swap3A_106 = vector.shape_cast %scan3A_91#2 : vector<16xf32> to vector<1x16xf32>
      tpu.vector_store %arg7[%swap3A_102, %swap3A_103], %swap3A_106 {strides = array<i32>} : memref<128x64xf32, #tpu.memory_space<vmem>>, vector<1x16xf32>,
      %swap3A_107 = arith.index_cast %add3A_71 : i32 to index
      %swap3A_108 = arith.constant 48 : index
      %swap3A_109 = tpu.vector_load %arg7[%swap3A_107, %swap3A_108] {strides = array<i32>} : memref<128x64xf32, #tpu.memory_space<vmem>>, vector<1x16xf32>,
      %swap3A_110 = vector.shape_cast %swap3A_109 : vector<1x16xf32> to vector<16xf32>
      %swap3A_111 = vector.shape_cast %scan3A_91#3 : vector<16xf32> to vector<1x16xf32>
      tpu.vector_store %arg7[%swap3A_107, %swap3A_108], %swap3A_111 {strides = array<i32>} : memref<128x64xf32, #tpu.memory_space<vmem>>, vector<1x16xf32>,
      %lt3A = arith.constant 31 : i32
      %lt3A_112 = arith.cmpi slt, %scan3A_67, %lt3A : i32
      %convert_element_type3A = arith.extui %lt3A_112 : i1 to i32
      %cond3A = arith.constant 0 : i32
      %cond3A_113 = arith.cmpi ne, %convert_element_type3A, %cond3A : i32
      scf.if %cond3A_113 {
        %add3A_270 = arith.constant 4 : i32
        %add3A_271 = arith.addi %add3A_71, %add3A_270 : i32
        %dma_start3A_272 = arith.constant 0 : i32
        %dma_start3A_273 = arith.constant 0 : i32
        %dma_start3A_274 = arith.constant 0 : i32
        %dma_start3A_275 = arith.constant 0 : i32
        %dma_start3A_276 = tpu.memref_slice %arg6[%dma_start3A_272, %dma_start3A_274, %dma_start3A_275] : memref<4x208x64xf32, #tpu.memory_space<vmem>> -> memref<1x208x64xf32, #tpu.memory_space<vmem>>
        %dma_start3A_277 = tpu.memref_squeeze %dma_start3A_276 : memref<1x208x64xf32, #tpu.memory_space<vmem>> -> memref<208x64xf32, #tpu.memory_space<vmem>>
        %dma_start3A_278 = arith.constant 0 : i32
        %dma_start3A_279 = tpu.memref_slice %arg5[%add3A_271, %dma_start3A_278] : memref<128x208xi32, #tpu.memory_space<vmem>> -> memref<1x208xi32, #tpu.memory_space<vmem>>
        %dma_start3A_280 = tpu.memref_squeeze %dma_start3A_279 : memref<1x208xi32, #tpu.memory_space<vmem>> -> memref<208xi32, #tpu.memory_space<vmem>>
        %dma_start3A_281 = arith.constant 0 : i32
        %dma_start3A_282 = arith.constant 0 : i32
        %dma_start3A_283 = tpu.memref_slice %arg3[%dma_start3A_281, %dma_start3A_282] : memref<1000000x64xf32, #tpu.memory_space<hbm>> -> memref<1000000x64xf32, #tpu.memory_space<hbm>>
        %dma_start3A_284 = tpu.memref_slice %arg8[%dma_start3A_273] : memref<4x!tpu.dma_semaphore, #tpu.memory_space<semaphore_mem>> -> memref<1x!tpu.dma_semaphore, #tpu.memory_space<semaphore_mem>>
        %dma_start3A_285 = tpu.memref_squeeze %dma_start3A_284 : memref<1x!tpu.dma_semaphore, #tpu.memory_space<semaphore_mem>> -> memref<!tpu.dma_semaphore, #tpu.memory_space<semaphore_mem>>
        tpu.enqueue_indirect_dma source(%dma_start3A_283 : memref<1000000x64xf32, #tpu.memory_space<hbm>>) target(%dma_start3A_277 : memref<208x64xf32, #tpu.memory_space<vmem>>) offsets(%dma_start3A_280 : memref<208xi32, #tpu.memory_space<vmem>>) semaphore(%dma_start3A_285 : memref<!tpu.dma_semaphore, #tpu.memory_space<semaphore_mem>>)
      } else {
      }
      %mul3A_114 = arith.constant 4 : i32
      %mul3A_115 = arith.muli %scan3A_67, %mul3A_114 : i32
      %add3A_116 = arith.constant 1 : i32
      %add3A_117 = arith.addi %mul3A_115, %add3A_116 : i32
      %dma_wait3A_118 = arith.constant 0 : i32
      %dma_wait3A_119 = arith.constant 1 : i32
      %dma_wait3A_120 = arith.constant 1 : i32
      %dma_wait3A_121 = arith.constant 0 : i32
      %dma_wait3A_122 = arith.constant 0 : i32
      %dma_wait3A_123 = tpu.memref_slice %arg6[%dma_wait3A_119, %dma_wait3A_121, %dma_wait3A_122] : memref<4x208x64xf32, #tpu.memory_space<vmem>> -> memref<1x208x64xf32, #tpu.memory_space<vmem>>
      %dma_wait3A_124 = tpu.memref_squeeze %dma_wait3A_123 : memref<1x208x64xf32, #tpu.memory_space<vmem>> -> memref<208x64xf32, #tpu.memory_space<vmem>>
      %dma_wait3A_125 = arith.constant 0 : i32
      %dma_wait3A_126 = tpu.memref_slice %arg5[%dma_wait3A_118, %dma_wait3A_125] : memref<128x208xi32, #tpu.memory_space<vmem>> -> memref<1x208xi32, #tpu.memory_space<vmem>>
      %dma_wait3A_127 = tpu.memref_squeeze %dma_wait3A_126 : memref<1x208xi32, #tpu.memory_space<vmem>> -> memref<208xi32, #tpu.memory_space<vmem>>
      %dma_wait3A_128 = arith.constant 0 : i32
      %dma_wait3A_129 = arith.constant 0 : i32
      %dma_wait3A_130 = tpu.memref_slice %arg3[%dma_wait3A_128, %dma_wait3A_129] : memref<1000000x64xf32, #tpu.memory_space<hbm>> -> memref<1000000x64xf32, #tpu.memory_space<hbm>>
      %dma_wait3A_131 = tpu.memref_slice %arg8[%dma_wait3A_120] : memref<4x!tpu.dma_semaphore, #tpu.memory_space<semaphore_mem>> -> memref<1x!tpu.dma_semaphore, #tpu.memory_space<semaphore_mem>>
      %dma_wait3A_132 = tpu.memref_squeeze %dma_wait3A_131 : memref<1x!tpu.dma_semaphore, #tpu.memory_space<semaphore_mem>> -> memref<!tpu.dma_semaphore, #tpu.memory_space<semaphore_mem>>
      tpu.wait_indirect_dma semaphore(%dma_wait3A_132 : memref<!tpu.dma_semaphore, #tpu.memory_space<semaphore_mem>>) src(%dma_wait3A_130 : memref<1000000x64xf32, #tpu.memory_space<hbm>>) dst(%dma_wait3A_124 : memref<208x64xf32, #tpu.memory_space<vmem>>)
      %broadcast_in_dim3A_133 = arith.constant 0.000000e+00 : f32
      %broadcast_in_dim3A_134 = vector.broadcast %broadcast_in_dim3A_133 : f32 to vector<16xf32>
      %scan3A_135 = arith.constant 0 : i32
      %scan3A_136 = arith.constant 208 : i32
      %scan3A_137 = arith.addi %scan3A_135, %scan3A_136 : i32
      %scan3A_138 = arith.constant 8 : i32
      %scan3A_139:4 = scf.for %scan3A_270 = %scan3A_135 to %scan3A_137 step %scan3A_138 iter_args(%scan3A_271 = %broadcast_in_dim3A_134, %scan3A_272 = %broadcast_in_dim3A_134, %scan3A_273 = %broadcast_in_dim3A_134, %scan3A_274 = %broadcast_in_dim3A_134) -> (vector<16xf32>, vector<16xf32>, vector<16xf32>, vector<16xf32>)  : i32 {
        %get3A = arith.constant 1 : i32
        %get3A_275 = arith.index_cast %get3A : i32 to index
        %get3A_276 = arith.index_cast %scan3A_270 : i32 to index
        %get3A_277 = arith.constant 0 : index
        %get3A_278 = tpu.vector_load %arg6[%get3A_275, %get3A_276, %get3A_277] {strides = array<i32>} : memref<4x208x64xf32, #tpu.memory_space<vmem>>, vector<1x1x16xf32>,
        %get3A_279 = vector.shape_cast %get3A_278 : vector<1x1x16xf32> to vector<16xf32>
        %add3A_280 = arith.addf %scan3A_271, %get3A_279 : vector<16xf32>
        %get3A_281 = arith.constant 1 : i32
        %get3A_282 = arith.index_cast %get3A_281 : i32 to index
        %get3A_283 = arith.index_cast %scan3A_270 : i32 to index
        %get3A_284 = arith.constant 16 : index
        %get3A_285 = tpu.vector_load %arg6[%get3A_282, %get3A_283, %get3A_284] {strides = array<i32>} : memref<4x208x64xf32, #tpu.memory_space<vmem>>, vector<1x1x16xf32>,
        %get3A_286 = vector.shape_cast %get3A_285 : vector<1x1x16xf32> to vector<16xf32>
        %add3A_287 = arith.addf %scan3A_272, %get3A_286 : vector<16xf32>
        %get3A_288 = arith.constant 1 : i32
        %get3A_289 = arith.index_cast %get3A_288 : i32 to index
        %get3A_290 = arith.index_cast %scan3A_270 : i32 to index
        %get3A_291 = arith.constant 32 : index
        %get3A_292 = tpu.vector_load %arg6[%get3A_289, %get3A_290, %get3A_291] {strides = array<i32>} : memref<4x208x64xf32, #tpu.memory_space<vmem>>, vector<1x1x16xf32>,
        %get3A_293 = vector.shape_cast %get3A_292 : vector<1x1x16xf32> to vector<16xf32>
        %add3A_294 = arith.addf %scan3A_273, %get3A_293 : vector<16xf32>
        %get3A_295 = arith.constant 1 : i32
        %get3A_296 = arith.index_cast %get3A_295 : i32 to index
        %get3A_297 = arith.index_cast %scan3A_270 : i32 to index
        %get3A_298 = arith.constant 48 : index
        %get3A_299 = tpu.vector_load %arg6[%get3A_296, %get3A_297, %get3A_298] {strides = array<i32>} : memref<4x208x64xf32, #tpu.memory_space<vmem>>, vector<1x1x16xf32>,
        %get3A_300 = vector.shape_cast %get3A_299 : vector<1x1x16xf32> to vector<16xf32>
        %add3A_301 = arith.addf %scan3A_274, %get3A_300 : vector<16xf32>
        %scan3A_302 = arith.constant 1 : i32
        %scan3A_303 = arith.addi %scan3A_270, %scan3A_302 : i32
        %get3A_304 = arith.constant 1 : i32
        %get3A_305 = arith.index_cast %get3A_304 : i32 to index
        %get3A_306 = arith.index_cast %scan3A_303 : i32 to index
        %get3A_307 = arith.constant 0 : index
        %get3A_308 = tpu.vector_load %arg6[%get3A_305, %get3A_306, %get3A_307] {strides = array<i32>} : memref<4x208x64xf32, #tpu.memory_space<vmem>>, vector<1x1x16xf32>,
        %get3A_309 = vector.shape_cast %get3A_308 : vector<1x1x16xf32> to vector<16xf32>
        %add3A_310 = arith.addf %add3A_280, %get3A_309 : vector<16xf32>
        %get3A_311 = arith.constant 1 : i32
        %get3A_312 = arith.index_cast %get3A_311 : i32 to index
        %get3A_313 = arith.index_cast %scan3A_303 : i32 to index
        %get3A_314 = arith.constant 16 : index
        %get3A_315 = tpu.vector_load %arg6[%get3A_312, %get3A_313, %get3A_314] {strides = array<i32>} : memref<4x208x64xf32, #tpu.memory_space<vmem>>, vector<1x1x16xf32>,
        %get3A_316 = vector.shape_cast %get3A_315 : vector<1x1x16xf32> to vector<16xf32>
        %add3A_317 = arith.addf %add3A_287, %get3A_316 : vector<16xf32>
        %get3A_318 = arith.constant 1 : i32
        %get3A_319 = arith.index_cast %get3A_318 : i32 to index
        %get3A_320 = arith.index_cast %scan3A_303 : i32 to index
        %get3A_321 = arith.constant 32 : index
        %get3A_322 = tpu.vector_load %arg6[%get3A_319, %get3A_320, %get3A_321] {strides = array<i32>} : memref<4x208x64xf32, #tpu.memory_space<vmem>>, vector<1x1x16xf32>,
        %get3A_323 = vector.shape_cast %get3A_322 : vector<1x1x16xf32> to vector<16xf32>
        %add3A_324 = arith.addf %add3A_294, %get3A_323 : vector<16xf32>
        %get3A_325 = arith.constant 1 : i32
        %get3A_326 = arith.index_cast %get3A_325 : i32 to index
        %get3A_327 = arith.index_cast %scan3A_303 : i32 to index
        %get3A_328 = arith.constant 48 : index
        %get3A_329 = tpu.vector_load %arg6[%get3A_326, %get3A_327, %get3A_328] {strides = array<i32>} : memref<4x208x64xf32, #tpu.memory_space<vmem>>, vector<1x1x16xf32>,
        %get3A_330 = vector.shape_cast %get3A_329 : vector<1x1x16xf32> to vector<16xf32>
        %add3A_331 = arith.addf %add3A_301, %get3A_330 : vector<16xf32>
        %scan3A_332 = arith.constant 2 : i32
        %scan3A_333 = arith.addi %scan3A_270, %scan3A_332 : i32
        %get3A_334 = arith.constant 1 : i32
        %get3A_335 = arith.index_cast %get3A_334 : i32 to index
        %get3A_336 = arith.index_cast %scan3A_333 : i32 to index
        %get3A_337 = arith.constant 0 : index
        %get3A_338 = tpu.vector_load %arg6[%get3A_335, %get3A_336, %get3A_337] {strides = array<i32>} : memref<4x208x64xf32, #tpu.memory_space<vmem>>, vector<1x1x16xf32>,
        %get3A_339 = vector.shape_cast %get3A_338 : vector<1x1x16xf32> to vector<16xf32>
        %add3A_340 = arith.addf %add3A_310, %get3A_339 : vector<16xf32>
        %get3A_341 = arith.constant 1 : i32
        %get3A_342 = arith.index_cast %get3A_341 : i32 to index
        %get3A_343 = arith.index_cast %scan3A_333 : i32 to index
        %get3A_344 = arith.constant 16 : index
        %get3A_345 = tpu.vector_load %arg6[%get3A_342, %get3A_343, %get3A_344] {strides = array<i32>} : memref<4x208x64xf32, #tpu.memory_space<vmem>>, vector<1x1x16xf32>,
        %get3A_346 = vector.shape_cast %get3A_345 : vector<1x1x16xf32> to vector<16xf32>
        %add3A_347 = arith.addf %add3A_317, %get3A_346 : vector<16xf32>
        %get3A_348 = arith.constant 1 : i32
        %get3A_349 = arith.index_cast %get3A_348 : i32 to index
        %get3A_350 = arith.index_cast %scan3A_333 : i32 to index
        %get3A_351 = arith.constant 32 : index
        %get3A_352 = tpu.vector_load %arg6[%get3A_349, %get3A_350, %get3A_351] {strides = array<i32>} : memref<4x208x64xf32, #tpu.memory_space<vmem>>, vector<1x1x16xf32>,
        %get3A_353 = vector.shape_cast %get3A_352 : vector<1x1x16xf32> to vector<16xf32>
        %add3A_354 = arith.addf %add3A_324, %get3A_353 : vector<16xf32>
        %get3A_355 = arith.constant 1 : i32
        %get3A_356 = arith.index_cast %get3A_355 : i32 to index
        %get3A_357 = arith.index_cast %scan3A_333 : i32 to index
        %get3A_358 = arith.constant 48 : index
        %get3A_359 = tpu.vector_load %arg6[%get3A_356, %get3A_357, %get3A_358] {strides = array<i32>} : memref<4x208x64xf32, #tpu.memory_space<vmem>>, vector<1x1x16xf32>,
        %get3A_360 = vector.shape_cast %get3A_359 : vector<1x1x16xf32> to vector<16xf32>
        %add3A_361 = arith.addf %add3A_331, %get3A_360 : vector<16xf32>
        %scan3A_362 = arith.constant 3 : i32
        %scan3A_363 = arith.addi %scan3A_270, %scan3A_362 : i32
        %get3A_364 = arith.constant 1 : i32
        %get3A_365 = arith.index_cast %get3A_364 : i32 to index
        %get3A_366 = arith.index_cast %scan3A_363 : i32 to index
        %get3A_367 = arith.constant 0 : index
        %get3A_368 = tpu.vector_load %arg6[%get3A_365, %get3A_366, %get3A_367] {strides = array<i32>} : memref<4x208x64xf32, #tpu.memory_space<vmem>>, vector<1x1x16xf32>,
        %get3A_369 = vector.shape_cast %get3A_368 : vector<1x1x16xf32> to vector<16xf32>
        %add3A_370 = arith.addf %add3A_340, %get3A_369 : vector<16xf32>
        %get3A_371 = arith.constant 1 : i32
        %get3A_372 = arith.index_cast %get3A_371 : i32 to index
        %get3A_373 = arith.index_cast %scan3A_363 : i32 to index
        %get3A_374 = arith.constant 16 : index
        %get3A_375 = tpu.vector_load %arg6[%get3A_372, %get3A_373, %get3A_374] {strides = array<i32>} : memref<4x208x64xf32, #tpu.memory_space<vmem>>, vector<1x1x16xf32>,
        %get3A_376 = vector.shape_cast %get3A_375 : vector<1x1x16xf32> to vector<16xf32>
        %add3A_377 = arith.addf %add3A_347, %get3A_376 : vector<16xf32>
        %get3A_378 = arith.constant 1 : i32
        %get3A_379 = arith.index_cast %get3A_378 : i32 to index
        %get3A_380 = arith.index_cast %scan3A_363 : i32 to index
        %get3A_381 = arith.constant 32 : index
        %get3A_382 = tpu.vector_load %arg6[%get3A_379, %get3A_380, %get3A_381] {strides = array<i32>} : memref<4x208x64xf32, #tpu.memory_space<vmem>>, vector<1x1x16xf32>,
        %get3A_383 = vector.shape_cast %get3A_382 : vector<1x1x16xf32> to vector<16xf32>
        %add3A_384 = arith.addf %add3A_354, %get3A_383 : vector<16xf32>
        %get3A_385 = arith.constant 1 : i32
        %get3A_386 = arith.index_cast %get3A_385 : i32 to index
        %get3A_387 = arith.index_cast %scan3A_363 : i32 to index
        %get3A_388 = arith.constant 48 : index
        %get3A_389 = tpu.vector_load %arg6[%get3A_386, %get3A_387, %get3A_388] {strides = array<i32>} : memref<4x208x64xf32, #tpu.memory_space<vmem>>, vector<1x1x16xf32>,
        %get3A_390 = vector.shape_cast %get3A_389 : vector<1x1x16xf32> to vector<16xf32>
        %add3A_391 = arith.addf %add3A_361, %get3A_390 : vector<16xf32>
        %scan3A_392 = arith.constant 4 : i32
        %scan3A_393 = arith.addi %scan3A_270, %scan3A_392 : i32
        %get3A_394 = arith.constant 1 : i32
        %get3A_395 = arith.index_cast %get3A_394 : i32 to index
        %get3A_396 = arith.index_cast %scan3A_393 : i32 to index
        %get3A_397 = arith.constant 0 : index
        %get3A_398 = tpu.vector_load %arg6[%get3A_395, %get3A_396, %get3A_397] {strides = array<i32>} : memref<4x208x64xf32, #tpu.memory_space<vmem>>, vector<1x1x16xf32>,
        %get3A_399 = vector.shape_cast %get3A_398 : vector<1x1x16xf32> to vector<16xf32>
        %add3A_400 = arith.addf %add3A_370, %get3A_399 : vector<16xf32>
        %get3A_401 = arith.constant 1 : i32
        %get3A_402 = arith.index_cast %get3A_401 : i32 to index
        %get3A_403 = arith.index_cast %scan3A_393 : i32 to index
        %get3A_404 = arith.constant 16 : index
        %get3A_405 = tpu.vector_load %arg6[%get3A_402, %get3A_403, %get3A_404] {strides = array<i32>} : memref<4x208x64xf32, #tpu.memory_space<vmem>>, vector<1x1x16xf32>,
        %get3A_406 = vector.shape_cast %get3A_405 : vector<1x1x16xf32> to vector<16xf32>
        %add3A_407 = arith.addf %add3A_377, %get3A_406 : vector<16xf32>
        %get3A_408 = arith.constant 1 : i32
        %get3A_409 = arith.index_cast %get3A_408 : i32 to index
        %get3A_410 = arith.index_cast %scan3A_393 : i32 to index
        %get3A_411 = arith.constant 32 : index
        %get3A_412 = tpu.vector_load %arg6[%get3A_409, %get3A_410, %get3A_411] {strides = array<i32>} : memref<4x208x64xf32, #tpu.memory_space<vmem>>, vector<1x1x16xf32>,
        %get3A_413 = vector.shape_cast %get3A_412 : vector<1x1x16xf32> to vector<16xf32>
        %add3A_414 = arith.addf %add3A_384, %get3A_413 : vector<16xf32>
        %get3A_415 = arith.constant 1 : i32
        %get3A_416 = arith.index_cast %get3A_415 : i32 to index
        %get3A_417 = arith.index_cast %scan3A_393 : i32 to index
        %get3A_418 = arith.constant 48 : index
        %get3A_419 = tpu.vector_load %arg6[%get3A_416, %get3A_417, %get3A_418] {strides = array<i32>} : memref<4x208x64xf32, #tpu.memory_space<vmem>>, vector<1x1x16xf32>,
        %get3A_420 = vector.shape_cast %get3A_419 : vector<1x1x16xf32> to vector<16xf32>
        %add3A_421 = arith.addf %add3A_391, %get3A_420 : vector<16xf32>
        %scan3A_422 = arith.constant 5 : i32
        %scan3A_423 = arith.addi %scan3A_270, %scan3A_422 : i32
        %get3A_424 = arith.constant 1 : i32
        %get3A_425 = arith.index_cast %get3A_424 : i32 to index
        %get3A_426 = arith.index_cast %scan3A_423 : i32 to index
        %get3A_427 = arith.constant 0 : index
        %get3A_428 = tpu.vector_load %arg6[%get3A_425, %get3A_426, %get3A_427] {strides = array<i32>} : memref<4x208x64xf32, #tpu.memory_space<vmem>>, vector<1x1x16xf32>,
        %get3A_429 = vector.shape_cast %get3A_428 : vector<1x1x16xf32> to vector<16xf32>
        %add3A_430 = arith.addf %add3A_400, %get3A_429 : vector<16xf32>
        %get3A_431 = arith.constant 1 : i32
        %get3A_432 = arith.index_cast %get3A_431 : i32 to index
        %get3A_433 = arith.index_cast %scan3A_423 : i32 to index
        %get3A_434 = arith.constant 16 : index
        %get3A_435 = tpu.vector_load %arg6[%get3A_432, %get3A_433, %get3A_434] {strides = array<i32>} : memref<4x208x64xf32, #tpu.memory_space<vmem>>, vector<1x1x16xf32>,
        %get3A_436 = vector.shape_cast %get3A_435 : vector<1x1x16xf32> to vector<16xf32>
        %add3A_437 = arith.addf %add3A_407, %get3A_436 : vector<16xf32>
        %get3A_438 = arith.constant 1 : i32
        %get3A_439 = arith.index_cast %get3A_438 : i32 to index
        %get3A_440 = arith.index_cast %scan3A_423 : i32 to index
        %get3A_441 = arith.constant 32 : index
        %get3A_442 = tpu.vector_load %arg6[%get3A_439, %get3A_440, %get3A_441] {strides = array<i32>} : memref<4x208x64xf32, #tpu.memory_space<vmem>>, vector<1x1x16xf32>,
        %get3A_443 = vector.shape_cast %get3A_442 : vector<1x1x16xf32> to vector<16xf32>
        %add3A_444 = arith.addf %add3A_414, %get3A_443 : vector<16xf32>
        %get3A_445 = arith.constant 1 : i32
        %get3A_446 = arith.index_cast %get3A_445 : i32 to index
        %get3A_447 = arith.index_cast %scan3A_423 : i32 to index
        %get3A_448 = arith.constant 48 : index
        %get3A_449 = tpu.vector_load %arg6[%get3A_446, %get3A_447, %get3A_448] {strides = array<i32>} : memref<4x208x64xf32, #tpu.memory_space<vmem>>, vector<1x1x16xf32>,
        %get3A_450 = vector.shape_cast %get3A_449 : vector<1x1x16xf32> to vector<16xf32>
        %add3A_451 = arith.addf %add3A_421, %get3A_450 : vector<16xf32>
        %scan3A_452 = arith.constant 6 : i32
        %scan3A_453 = arith.addi %scan3A_270, %scan3A_452 : i32
        %get3A_454 = arith.constant 1 : i32
        %get3A_455 = arith.index_cast %get3A_454 : i32 to index
        %get3A_456 = arith.index_cast %scan3A_453 : i32 to index
        %get3A_457 = arith.constant 0 : index
        %get3A_458 = tpu.vector_load %arg6[%get3A_455, %get3A_456, %get3A_457] {strides = array<i32>} : memref<4x208x64xf32, #tpu.memory_space<vmem>>, vector<1x1x16xf32>,
        %get3A_459 = vector.shape_cast %get3A_458 : vector<1x1x16xf32> to vector<16xf32>
        %add3A_460 = arith.addf %add3A_430, %get3A_459 : vector<16xf32>
        %get3A_461 = arith.constant 1 : i32
        %get3A_462 = arith.index_cast %get3A_461 : i32 to index
        %get3A_463 = arith.index_cast %scan3A_453 : i32 to index
        %get3A_464 = arith.constant 16 : index
        %get3A_465 = tpu.vector_load %arg6[%get3A_462, %get3A_463, %get3A_464] {strides = array<i32>} : memref<4x208x64xf32, #tpu.memory_space<vmem>>, vector<1x1x16xf32>,
        %get3A_466 = vector.shape_cast %get3A_465 : vector<1x1x16xf32> to vector<16xf32>
        %add3A_467 = arith.addf %add3A_437, %get3A_466 : vector<16xf32>
        %get3A_468 = arith.constant 1 : i32
        %get3A_469 = arith.index_cast %get3A_468 : i32 to index
        %get3A_470 = arith.index_cast %scan3A_453 : i32 to index
        %get3A_471 = arith.constant 32 : index
        %get3A_472 = tpu.vector_load %arg6[%get3A_469, %get3A_470, %get3A_471] {strides = array<i32>} : memref<4x208x64xf32, #tpu.memory_space<vmem>>, vector<1x1x16xf32>,
        %get3A_473 = vector.shape_cast %get3A_472 : vector<1x1x16xf32> to vector<16xf32>
        %add3A_474 = arith.addf %add3A_444, %get3A_473 : vector<16xf32>
        %get3A_475 = arith.constant 1 : i32
        %get3A_476 = arith.index_cast %get3A_475 : i32 to index
        %get3A_477 = arith.index_cast %scan3A_453 : i32 to index
        %get3A_478 = arith.constant 48 : index
        %get3A_479 = tpu.vector_load %arg6[%get3A_476, %get3A_477, %get3A_478] {strides = array<i32>} : memref<4x208x64xf32, #tpu.memory_space<vmem>>, vector<1x1x16xf32>,
        %get3A_480 = vector.shape_cast %get3A_479 : vector<1x1x16xf32> to vector<16xf32>
        %add3A_481 = arith.addf %add3A_451, %get3A_480 : vector<16xf32>
        %scan3A_482 = arith.constant 7 : i32
        %scan3A_483 = arith.addi %scan3A_270, %scan3A_482 : i32
        %get3A_484 = arith.constant 1 : i32
        %get3A_485 = arith.index_cast %get3A_484 : i32 to index
        %get3A_486 = arith.index_cast %scan3A_483 : i32 to index
        %get3A_487 = arith.constant 0 : index
        %get3A_488 = tpu.vector_load %arg6[%get3A_485, %get3A_486, %get3A_487] {strides = array<i32>} : memref<4x208x64xf32, #tpu.memory_space<vmem>>, vector<1x1x16xf32>,
        %get3A_489 = vector.shape_cast %get3A_488 : vector<1x1x16xf32> to vector<16xf32>
        %add3A_490 = arith.addf %add3A_460, %get3A_489 : vector<16xf32>
        %get3A_491 = arith.constant 1 : i32
        %get3A_492 = arith.index_cast %get3A_491 : i32 to index
        %get3A_493 = arith.index_cast %scan3A_483 : i32 to index
        %get3A_494 = arith.constant 16 : index
        %get3A_495 = tpu.vector_load %arg6[%get3A_492, %get3A_493, %get3A_494] {strides = array<i32>} : memref<4x208x64xf32, #tpu.memory_space<vmem>>, vector<1x1x16xf32>,
        %get3A_496 = vector.shape_cast %get3A_495 : vector<1x1x16xf32> to vector<16xf32>
        %add3A_497 = arith.addf %add3A_467, %get3A_496 : vector<16xf32>
        %get3A_498 = arith.constant 1 : i32
        %get3A_499 = arith.index_cast %get3A_498 : i32 to index
        %get3A_500 = arith.index_cast %scan3A_483 : i32 to index
        %get3A_501 = arith.constant 32 : index
        %get3A_502 = tpu.vector_load %arg6[%get3A_499, %get3A_500, %get3A_501] {strides = array<i32>} : memref<4x208x64xf32, #tpu.memory_space<vmem>>, vector<1x1x16xf32>,
        %get3A_503 = vector.shape_cast %get3A_502 : vector<1x1x16xf32> to vector<16xf32>
        %add3A_504 = arith.addf %add3A_474, %get3A_503 : vector<16xf32>
        %get3A_505 = arith.constant 1 : i32
        %get3A_506 = arith.index_cast %get3A_505 : i32 to index
        %get3A_507 = arith.index_cast %scan3A_483 : i32 to index
        %get3A_508 = arith.constant 48 : index
        %get3A_509 = tpu.vector_load %arg6[%get3A_506, %get3A_507, %get3A_508] {strides = array<i32>} : memref<4x208x64xf32, #tpu.memory_space<vmem>>, vector<1x1x16xf32>,
        %get3A_510 = vector.shape_cast %get3A_509 : vector<1x1x16xf32> to vector<16xf32>
        %add3A_511 = arith.addf %add3A_481, %get3A_510 : vector<16xf32>
        scf.yield %add3A_490, %add3A_497, %add3A_504, %add3A_511 : vector<16xf32>, vector<16xf32>, vector<16xf32>, vector<16xf32>
      }
      %scan3A_140 = arith.constant 208 : i32
      %swap3A_141 = arith.index_cast %add3A_117 : i32 to index
      %swap3A_142 = arith.constant 0 : index
      %swap3A_143 = tpu.vector_load %arg7[%swap3A_141, %swap3A_142] {strides = array<i32>} : memref<128x64xf32, #tpu.memory_space<vmem>>, vector<1x16xf32>,
      %swap3A_144 = vector.shape_cast %swap3A_143 : vector<1x16xf32> to vector<16xf32>
      %swap3A_145 = vector.shape_cast %scan3A_139#0 : vector<16xf32> to vector<1x16xf32>
      tpu.vector_store %arg7[%swap3A_141, %swap3A_142], %swap3A_145 {strides = array<i32>} : memref<128x64xf32, #tpu.memory_space<vmem>>, vector<1x16xf32>,
      %swap3A_146 = arith.index_cast %add3A_117 : i32 to index
      %swap3A_147 = arith.constant 16 : index
      %swap3A_148 = tpu.vector_load %arg7[%swap3A_146, %swap3A_147] {strides = array<i32>} : memref<128x64xf32, #tpu.memory_space<vmem>>, vector<1x16xf32>,
      %swap3A_149 = vector.shape_cast %swap3A_148 : vector<1x16xf32> to vector<16xf32>
      %swap3A_150 = vector.shape_cast %scan3A_139#1 : vector<16xf32> to vector<1x16xf32>
      tpu.vector_store %arg7[%swap3A_146, %swap3A_147], %swap3A_150 {strides = array<i32>} : memref<128x64xf32, #tpu.memory_space<vmem>>, vector<1x16xf32>,
      %swap3A_151 = arith.index_cast %add3A_117 : i32 to index
      %swap3A_152 = arith.constant 32 : index
      %swap3A_153 = tpu.vector_load %arg7[%swap3A_151, %swap3A_152] {strides = array<i32>} : memref<128x64xf32, #tpu.memory_space<vmem>>, vector<1x16xf32>,
      %swap3A_154 = vector.shape_cast %swap3A_153 : vector<1x16xf32> to vector<16xf32>
      %swap3A_155 = vector.shape_cast %scan3A_139#2 : vector<16xf32> to vector<1x16xf32>
      tpu.vector_store %arg7[%swap3A_151, %swap3A_152], %swap3A_155 {strides = array<i32>} : memref<128x64xf32, #tpu.memory_space<vmem>>, vector<1x16xf32>,
      %swap3A_156 = arith.index_cast %add3A_117 : i32 to index
      %swap3A_157 = arith.constant 48 : index
      %swap3A_158 = tpu.vector_load %arg7[%swap3A_156, %swap3A_157] {strides = array<i32>} : memref<128x64xf32, #tpu.memory_space<vmem>>, vector<1x16xf32>,
      %swap3A_159 = vector.shape_cast %swap3A_158 : vector<1x16xf32> to vector<16xf32>
      %swap3A_160 = vector.shape_cast %scan3A_139#3 : vector<16xf32> to vector<1x16xf32>
      tpu.vector_store %arg7[%swap3A_156, %swap3A_157], %swap3A_160 {strides = array<i32>} : memref<128x64xf32, #tpu.memory_space<vmem>>, vector<1x16xf32>,
      %lt3A_161 = arith.constant 31 : i32
      %lt3A_162 = arith.cmpi slt, %scan3A_67, %lt3A_161 : i32
      %convert_element_type3A_163 = arith.extui %lt3A_162 : i1 to i32
      %cond3A_164 = arith.constant 0 : i32
      %cond3A_165 = arith.cmpi ne, %convert_element_type3A_163, %cond3A_164 : i32
      scf.if %cond3A_165 {
        %add3A_270 = arith.constant 4 : i32
        %add3A_271 = arith.addi %add3A_117, %add3A_270 : i32
        %dma_start3A_272 = arith.constant 1 : i32
        %dma_start3A_273 = arith.constant 1 : i32
        %dma_start3A_274 = arith.constant 0 : i32
        %dma_start3A_275 = arith.constant 0 : i32
        %dma_start3A_276 = tpu.memref_slice %arg6[%dma_start3A_272, %dma_start3A_274, %dma_start3A_275] : memref<4x208x64xf32, #tpu.memory_space<vmem>> -> memref<1x208x64xf32, #tpu.memory_space<vmem>>
        %dma_start3A_277 = tpu.memref_squeeze %dma_start3A_276 : memref<1x208x64xf32, #tpu.memory_space<vmem>> -> memref<208x64xf32, #tpu.memory_space<vmem>>
        %dma_start3A_278 = arith.constant 0 : i32
        %dma_start3A_279 = tpu.memref_slice %arg5[%add3A_271, %dma_start3A_278] : memref<128x208xi32, #tpu.memory_space<vmem>> -> memref<1x208xi32, #tpu.memory_space<vmem>>
        %dma_start3A_280 = tpu.memref_squeeze %dma_start3A_279 : memref<1x208xi32, #tpu.memory_space<vmem>> -> memref<208xi32, #tpu.memory_space<vmem>>
        %dma_start3A_281 = arith.constant 0 : i32
        %dma_start3A_282 = arith.constant 0 : i32
        %dma_start3A_283 = tpu.memref_slice %arg3[%dma_start3A_281, %dma_start3A_282] : memref<1000000x64xf32, #tpu.memory_space<hbm>> -> memref<1000000x64xf32, #tpu.memory_space<hbm>>
        %dma_start3A_284 = tpu.memref_slice %arg8[%dma_start3A_273] : memref<4x!tpu.dma_semaphore, #tpu.memory_space<semaphore_mem>> -> memref<1x!tpu.dma_semaphore, #tpu.memory_space<semaphore_mem>>
        %dma_start3A_285 = tpu.memref_squeeze %dma_start3A_284 : memref<1x!tpu.dma_semaphore, #tpu.memory_space<semaphore_mem>> -> memref<!tpu.dma_semaphore, #tpu.memory_space<semaphore_mem>>
        tpu.enqueue_indirect_dma source(%dma_start3A_283 : memref<1000000x64xf32, #tpu.memory_space<hbm>>) target(%dma_start3A_277 : memref<208x64xf32, #tpu.memory_space<vmem>>) offsets(%dma_start3A_280 : memref<208xi32, #tpu.memory_space<vmem>>) semaphore(%dma_start3A_285 : memref<!tpu.dma_semaphore, #tpu.memory_space<semaphore_mem>>)
      } else {
      }
      %mul3A_166 = arith.constant 4 : i32
      %mul3A_167 = arith.muli %scan3A_67, %mul3A_166 : i32
      %add3A_168 = arith.constant 2 : i32
      %add3A_169 = arith.addi %mul3A_167, %add3A_168 : i32
      %dma_wait3A_170 = arith.constant 0 : i32
      %dma_wait3A_171 = arith.constant 2 : i32
      %dma_wait3A_172 = arith.constant 2 : i32
      %dma_wait3A_173 = arith.constant 0 : i32
      %dma_wait3A_174 = arith.constant 0 : i32
      %dma_wait3A_175 = tpu.memref_slice %arg6[%dma_wait3A_171, %dma_wait3A_173, %dma_wait3A_174] : memref<4x208x64xf32, #tpu.memory_space<vmem>> -> memref<1x208x64xf32, #tpu.memory_space<vmem>>
      %dma_wait3A_176 = tpu.memref_squeeze %dma_wait3A_175 : memref<1x208x64xf32, #tpu.memory_space<vmem>> -> memref<208x64xf32, #tpu.memory_space<vmem>>
      %dma_wait3A_177 = arith.constant 0 : i32
      %dma_wait3A_178 = tpu.memref_slice %arg5[%dma_wait3A_170, %dma_wait3A_177] : memref<128x208xi32, #tpu.memory_space<vmem>> -> memref<1x208xi32, #tpu.memory_space<vmem>>
      %dma_wait3A_179 = tpu.memref_squeeze %dma_wait3A_178 : memref<1x208xi32, #tpu.memory_space<vmem>> -> memref<208xi32, #tpu.memory_space<vmem>>
      %dma_wait3A_180 = arith.constant 0 : i32
      %dma_wait3A_181 = arith.constant 0 : i32
      %dma_wait3A_182 = tpu.memref_slice %arg3[%dma_wait3A_180, %dma_wait3A_181] : memref<1000000x64xf32, #tpu.memory_space<hbm>> -> memref<1000000x64xf32, #tpu.memory_space<hbm>>
      %dma_wait3A_183 = tpu.memref_slice %arg8[%dma_wait3A_172] : memref<4x!tpu.dma_semaphore, #tpu.memory_space<semaphore_mem>> -> memref<1x!tpu.dma_semaphore, #tpu.memory_space<semaphore_mem>>
      %dma_wait3A_184 = tpu.memref_squeeze %dma_wait3A_183 : memref<1x!tpu.dma_semaphore, #tpu.memory_space<semaphore_mem>> -> memref<!tpu.dma_semaphore, #tpu.memory_space<semaphore_mem>>
      tpu.wait_indirect_dma semaphore(%dma_wait3A_184 : memref<!tpu.dma_semaphore, #tpu.memory_space<semaphore_mem>>) src(%dma_wait3A_182 : memref<1000000x64xf32, #tpu.memory_space<hbm>>) dst(%dma_wait3A_176 : memref<208x64xf32, #tpu.memory_space<vmem>>)
      %broadcast_in_dim3A_185 = arith.constant 0.000000e+00 : f32
      %broadcast_in_dim3A_186 = vector.broadcast %broadcast_in_dim3A_185 : f32 to vector<16xf32>
      %scan3A_187 = arith.constant 0 : i32
      %scan3A_188 = arith.constant 208 : i32
      %scan3A_189 = arith.addi %scan3A_187, %scan3A_188 : i32
      %scan3A_190 = arith.constant 8 : i32
      %scan3A_191:4 = scf.for %scan3A_270 = %scan3A_187 to %scan3A_189 step %scan3A_190 iter_args(%scan3A_271 = %broadcast_in_dim3A_186, %scan3A_272 = %broadcast_in_dim3A_186, %scan3A_273 = %broadcast_in_dim3A_186, %scan3A_274 = %broadcast_in_dim3A_186) -> (vector<16xf32>, vector<16xf32>, vector<16xf32>, vector<16xf32>)  : i32 {
        %get3A = arith.constant 2 : i32
        %get3A_275 = arith.index_cast %get3A : i32 to index
        %get3A_276 = arith.index_cast %scan3A_270 : i32 to index
        %get3A_277 = arith.constant 0 : index
        %get3A_278 = tpu.vector_load %arg6[%get3A_275, %get3A_276, %get3A_277] {strides = array<i32>} : memref<4x208x64xf32, #tpu.memory_space<vmem>>, vector<1x1x16xf32>,
        %get3A_279 = vector.shape_cast %get3A_278 : vector<1x1x16xf32> to vector<16xf32>
        %add3A_280 = arith.addf %scan3A_271, %get3A_279 : vector<16xf32>
        %get3A_281 = arith.constant 2 : i32
        %get3A_282 = arith.index_cast %get3A_281 : i32 to index
        %get3A_283 = arith.index_cast %scan3A_270 : i32 to index
        %get3A_284 = arith.constant 16 : index
        %get3A_285 = tpu.vector_load %arg6[%get3A_282, %get3A_283, %get3A_284] {strides = array<i32>} : memref<4x208x64xf32, #tpu.memory_space<vmem>>, vector<1x1x16xf32>,
        %get3A_286 = vector.shape_cast %get3A_285 : vector<1x1x16xf32> to vector<16xf32>
        %add3A_287 = arith.addf %scan3A_272, %get3A_286 : vector<16xf32>
        %get3A_288 = arith.constant 2 : i32
        %get3A_289 = arith.index_cast %get3A_288 : i32 to index
        %get3A_290 = arith.index_cast %scan3A_270 : i32 to index
        %get3A_291 = arith.constant 32 : index
        %get3A_292 = tpu.vector_load %arg6[%get3A_289, %get3A_290, %get3A_291] {strides = array<i32>} : memref<4x208x64xf32, #tpu.memory_space<vmem>>, vector<1x1x16xf32>,
        %get3A_293 = vector.shape_cast %get3A_292 : vector<1x1x16xf32> to vector<16xf32>
        %add3A_294 = arith.addf %scan3A_273, %get3A_293 : vector<16xf32>
        %get3A_295 = arith.constant 2 : i32
        %get3A_296 = arith.index_cast %get3A_295 : i32 to index
        %get3A_297 = arith.index_cast %scan3A_270 : i32 to index
        %get3A_298 = arith.constant 48 : index
        %get3A_299 = tpu.vector_load %arg6[%get3A_296, %get3A_297, %get3A_298] {strides = array<i32>} : memref<4x208x64xf32, #tpu.memory_space<vmem>>, vector<1x1x16xf32>,
        %get3A_300 = vector.shape_cast %get3A_299 : vector<1x1x16xf32> to vector<16xf32>
        %add3A_301 = arith.addf %scan3A_274, %get3A_300 : vector<16xf32>
        %scan3A_302 = arith.constant 1 : i32
        %scan3A_303 = arith.addi %scan3A_270, %scan3A_302 : i32
        %get3A_304 = arith.constant 2 : i32
        %get3A_305 = arith.index_cast %get3A_304 : i32 to index
        %get3A_306 = arith.index_cast %scan3A_303 : i32 to index
        %get3A_307 = arith.constant 0 : index
        %get3A_308 = tpu.vector_load %arg6[%get3A_305, %get3A_306, %get3A_307] {strides = array<i32>} : memref<4x208x64xf32, #tpu.memory_space<vmem>>, vector<1x1x16xf32>,
        %get3A_309 = vector.shape_cast %get3A_308 : vector<1x1x16xf32> to vector<16xf32>
        %add3A_310 = arith.addf %add3A_280, %get3A_309 : vector<16xf32>
        %get3A_311 = arith.constant 2 : i32
        %get3A_312 = arith.index_cast %get3A_311 : i32 to index
        %get3A_313 = arith.index_cast %scan3A_303 : i32 to index
        %get3A_314 = arith.constant 16 : index
        %get3A_315 = tpu.vector_load %arg6[%get3A_312, %get3A_313, %get3A_314] {strides = array<i32>} : memref<4x208x64xf32, #tpu.memory_space<vmem>>, vector<1x1x16xf32>,
        %get3A_316 = vector.shape_cast %get3A_315 : vector<1x1x16xf32> to vector<16xf32>
        %add3A_317 = arith.addf %add3A_287, %get3A_316 : vector<16xf32>
        %get3A_318 = arith.constant 2 : i32
        %get3A_319 = arith.index_cast %get3A_318 : i32 to index
        %get3A_320 = arith.index_cast %scan3A_303 : i32 to index
        %get3A_321 = arith.constant 32 : index
        %get3A_322 = tpu.vector_load %arg6[%get3A_319, %get3A_320, %get3A_321] {strides = array<i32>} : memref<4x208x64xf32, #tpu.memory_space<vmem>>, vector<1x1x16xf32>,
        %get3A_323 = vector.shape_cast %get3A_322 : vector<1x1x16xf32> to vector<16xf32>
        %add3A_324 = arith.addf %add3A_294, %get3A_323 : vector<16xf32>
        %get3A_325 = arith.constant 2 : i32
        %get3A_326 = arith.index_cast %get3A_325 : i32 to index
        %get3A_327 = arith.index_cast %scan3A_303 : i32 to index
        %get3A_328 = arith.constant 48 : index
        %get3A_329 = tpu.vector_load %arg6[%get3A_326, %get3A_327, %get3A_328] {strides = array<i32>} : memref<4x208x64xf32, #tpu.memory_space<vmem>>, vector<1x1x16xf32>,
        %get3A_330 = vector.shape_cast %get3A_329 : vector<1x1x16xf32> to vector<16xf32>
        %add3A_331 = arith.addf %add3A_301, %get3A_330 : vector<16xf32>
        %scan3A_332 = arith.constant 2 : i32
        %scan3A_333 = arith.addi %scan3A_270, %scan3A_332 : i32
        %get3A_334 = arith.constant 2 : i32
        %get3A_335 = arith.index_cast %get3A_334 : i32 to index
        %get3A_336 = arith.index_cast %scan3A_333 : i32 to index
        %get3A_337 = arith.constant 0 : index
        %get3A_338 = tpu.vector_load %arg6[%get3A_335, %get3A_336, %get3A_337] {strides = array<i32>} : memref<4x208x64xf32, #tpu.memory_space<vmem>>, vector<1x1x16xf32>,
        %get3A_339 = vector.shape_cast %get3A_338 : vector<1x1x16xf32> to vector<16xf32>
        %add3A_340 = arith.addf %add3A_310, %get3A_339 : vector<16xf32>
        %get3A_341 = arith.constant 2 : i32
        %get3A_342 = arith.index_cast %get3A_341 : i32 to index
        %get3A_343 = arith.index_cast %scan3A_333 : i32 to index
        %get3A_344 = arith.constant 16 : index
        %get3A_345 = tpu.vector_load %arg6[%get3A_342, %get3A_343, %get3A_344] {strides = array<i32>} : memref<4x208x64xf32, #tpu.memory_space<vmem>>, vector<1x1x16xf32>,
        %get3A_346 = vector.shape_cast %get3A_345 : vector<1x1x16xf32> to vector<16xf32>
        %add3A_347 = arith.addf %add3A_317, %get3A_346 : vector<16xf32>
        %get3A_348 = arith.constant 2 : i32
        %get3A_349 = arith.index_cast %get3A_348 : i32 to index
        %get3A_350 = arith.index_cast %scan3A_333 : i32 to index
        %get3A_351 = arith.constant 32 : index
        %get3A_352 = tpu.vector_load %arg6[%get3A_349, %get3A_350, %get3A_351] {strides = array<i32>} : memref<4x208x64xf32, #tpu.memory_space<vmem>>, vector<1x1x16xf32>,
        %get3A_353 = vector.shape_cast %get3A_352 : vector<1x1x16xf32> to vector<16xf32>
        %add3A_354 = arith.addf %add3A_324, %get3A_353 : vector<16xf32>
        %get3A_355 = arith.constant 2 : i32
        %get3A_356 = arith.index_cast %get3A_355 : i32 to index
        %get3A_357 = arith.index_cast %scan3A_333 : i32 to index
        %get3A_358 = arith.constant 48 : index
        %get3A_359 = tpu.vector_load %arg6[%get3A_356, %get3A_357, %get3A_358] {strides = array<i32>} : memref<4x208x64xf32, #tpu.memory_space<vmem>>, vector<1x1x16xf32>,
        %get3A_360 = vector.shape_cast %get3A_359 : vector<1x1x16xf32> to vector<16xf32>
        %add3A_361 = arith.addf %add3A_331, %get3A_360 : vector<16xf32>
        %scan3A_362 = arith.constant 3 : i32
        %scan3A_363 = arith.addi %scan3A_270, %scan3A_362 : i32
        %get3A_364 = arith.constant 2 : i32
        %get3A_365 = arith.index_cast %get3A_364 : i32 to index
        %get3A_366 = arith.index_cast %scan3A_363 : i32 to index
        %get3A_367 = arith.constant 0 : index
        %get3A_368 = tpu.vector_load %arg6[%get3A_365, %get3A_366, %get3A_367] {strides = array<i32>} : memref<4x208x64xf32, #tpu.memory_space<vmem>>, vector<1x1x16xf32>,
        %get3A_369 = vector.shape_cast %get3A_368 : vector<1x1x16xf32> to vector<16xf32>
        %add3A_370 = arith.addf %add3A_340, %get3A_369 : vector<16xf32>
        %get3A_371 = arith.constant 2 : i32
        %get3A_372 = arith.index_cast %get3A_371 : i32 to index
        %get3A_373 = arith.index_cast %scan3A_363 : i32 to index
        %get3A_374 = arith.constant 16 : index
        %get3A_375 = tpu.vector_load %arg6[%get3A_372, %get3A_373, %get3A_374] {strides = array<i32>} : memref<4x208x64xf32, #tpu.memory_space<vmem>>, vector<1x1x16xf32>,
        %get3A_376 = vector.shape_cast %get3A_375 : vector<1x1x16xf32> to vector<16xf32>
        %add3A_377 = arith.addf %add3A_347, %get3A_376 : vector<16xf32>
        %get3A_378 = arith.constant 2 : i32
        %get3A_379 = arith.index_cast %get3A_378 : i32 to index
        %get3A_380 = arith.index_cast %scan3A_363 : i32 to index
        %get3A_381 = arith.constant 32 : index
        %get3A_382 = tpu.vector_load %arg6[%get3A_379, %get3A_380, %get3A_381] {strides = array<i32>} : memref<4x208x64xf32, #tpu.memory_space<vmem>>, vector<1x1x16xf32>,
        %get3A_383 = vector.shape_cast %get3A_382 : vector<1x1x16xf32> to vector<16xf32>
        %add3A_384 = arith.addf %add3A_354, %get3A_383 : vector<16xf32>
        %get3A_385 = arith.constant 2 : i32
        %get3A_386 = arith.index_cast %get3A_385 : i32 to index
        %get3A_387 = arith.index_cast %scan3A_363 : i32 to index
        %get3A_388 = arith.constant 48 : index
        %get3A_389 = tpu.vector_load %arg6[%get3A_386, %get3A_387, %get3A_388] {strides = array<i32>} : memref<4x208x64xf32, #tpu.memory_space<vmem>>, vector<1x1x16xf32>,
        %get3A_390 = vector.shape_cast %get3A_389 : vector<1x1x16xf32> to vector<16xf32>
        %add3A_391 = arith.addf %add3A_361, %get3A_390 : vector<16xf32>
        %scan3A_392 = arith.constant 4 : i32
        %scan3A_393 = arith.addi %scan3A_270, %scan3A_392 : i32
        %get3A_394 = arith.constant 2 : i32
        %get3A_395 = arith.index_cast %get3A_394 : i32 to index
        %get3A_396 = arith.index_cast %scan3A_393 : i32 to index
        %get3A_397 = arith.constant 0 : index
        %get3A_398 = tpu.vector_load %arg6[%get3A_395, %get3A_396, %get3A_397] {strides = array<i32>} : memref<4x208x64xf32, #tpu.memory_space<vmem>>, vector<1x1x16xf32>,
        %get3A_399 = vector.shape_cast %get3A_398 : vector<1x1x16xf32> to vector<16xf32>
        %add3A_400 = arith.addf %add3A_370, %get3A_399 : vector<16xf32>
        %get3A_401 = arith.constant 2 : i32
        %get3A_402 = arith.index_cast %get3A_401 : i32 to index
        %get3A_403 = arith.index_cast %scan3A_393 : i32 to index
        %get3A_404 = arith.constant 16 : index
        %get3A_405 = tpu.vector_load %arg6[%get3A_402, %get3A_403, %get3A_404] {strides = array<i32>} : memref<4x208x64xf32, #tpu.memory_space<vmem>>, vector<1x1x16xf32>,
        %get3A_406 = vector.shape_cast %get3A_405 : vector<1x1x16xf32> to vector<16xf32>
        %add3A_407 = arith.addf %add3A_377, %get3A_406 : vector<16xf32>
        %get3A_408 = arith.constant 2 : i32
        %get3A_409 = arith.index_cast %get3A_408 : i32 to index
        %get3A_410 = arith.index_cast %scan3A_393 : i32 to index
        %get3A_411 = arith.constant 32 : index
        %get3A_412 = tpu.vector_load %arg6[%get3A_409, %get3A_410, %get3A_411] {strides = array<i32>} : memref<4x208x64xf32, #tpu.memory_space<vmem>>, vector<1x1x16xf32>,
        %get3A_413 = vector.shape_cast %get3A_412 : vector<1x1x16xf32> to vector<16xf32>
        %add3A_414 = arith.addf %add3A_384, %get3A_413 : vector<16xf32>
        %get3A_415 = arith.constant 2 : i32
        %get3A_416 = arith.index_cast %get3A_415 : i32 to index
        %get3A_417 = arith.index_cast %scan3A_393 : i32 to index
        %get3A_418 = arith.constant 48 : index
        %get3A_419 = tpu.vector_load %arg6[%get3A_416, %get3A_417, %get3A_418] {strides = array<i32>} : memref<4x208x64xf32, #tpu.memory_space<vmem>>, vector<1x1x16xf32>,
        %get3A_420 = vector.shape_cast %get3A_419 : vector<1x1x16xf32> to vector<16xf32>
        %add3A_421 = arith.addf %add3A_391, %get3A_420 : vector<16xf32>
        %scan3A_422 = arith.constant 5 : i32
        %scan3A_423 = arith.addi %scan3A_270, %scan3A_422 : i32
        %get3A_424 = arith.constant 2 : i32
        %get3A_425 = arith.index_cast %get3A_424 : i32 to index
        %get3A_426 = arith.index_cast %scan3A_423 : i32 to index
        %get3A_427 = arith.constant 0 : index
        %get3A_428 = tpu.vector_load %arg6[%get3A_425, %get3A_426, %get3A_427] {strides = array<i32>} : memref<4x208x64xf32, #tpu.memory_space<vmem>>, vector<1x1x16xf32>,
        %get3A_429 = vector.shape_cast %get3A_428 : vector<1x1x16xf32> to vector<16xf32>
        %add3A_430 = arith.addf %add3A_400, %get3A_429 : vector<16xf32>
        %get3A_431 = arith.constant 2 : i32
        %get3A_432 = arith.index_cast %get3A_431 : i32 to index
        %get3A_433 = arith.index_cast %scan3A_423 : i32 to index
        %get3A_434 = arith.constant 16 : index
        %get3A_435 = tpu.vector_load %arg6[%get3A_432, %get3A_433, %get3A_434] {strides = array<i32>} : memref<4x208x64xf32, #tpu.memory_space<vmem>>, vector<1x1x16xf32>,
        %get3A_436 = vector.shape_cast %get3A_435 : vector<1x1x16xf32> to vector<16xf32>
        %add3A_437 = arith.addf %add3A_407, %get3A_436 : vector<16xf32>
        %get3A_438 = arith.constant 2 : i32
        %get3A_439 = arith.index_cast %get3A_438 : i32 to index
        %get3A_440 = arith.index_cast %scan3A_423 : i32 to index
        %get3A_441 = arith.constant 32 : index
        %get3A_442 = tpu.vector_load %arg6[%get3A_439, %get3A_440, %get3A_441] {strides = array<i32>} : memref<4x208x64xf32, #tpu.memory_space<vmem>>, vector<1x1x16xf32>,
        %get3A_443 = vector.shape_cast %get3A_442 : vector<1x1x16xf32> to vector<16xf32>
        %add3A_444 = arith.addf %add3A_414, %get3A_443 : vector<16xf32>
        %get3A_445 = arith.constant 2 : i32
        %get3A_446 = arith.index_cast %get3A_445 : i32 to index
        %get3A_447 = arith.index_cast %scan3A_423 : i32 to index
        %get3A_448 = arith.constant 48 : index
        %get3A_449 = tpu.vector_load %arg6[%get3A_446, %get3A_447, %get3A_448] {strides = array<i32>} : memref<4x208x64xf32, #tpu.memory_space<vmem>>, vector<1x1x16xf32>,
        %get3A_450 = vector.shape_cast %get3A_449 : vector<1x1x16xf32> to vector<16xf32>
        %add3A_451 = arith.addf %add3A_421, %get3A_450 : vector<16xf32>
        %scan3A_452 = arith.constant 6 : i32
        %scan3A_453 = arith.addi %scan3A_270, %scan3A_452 : i32
        %get3A_454 = arith.constant 2 : i32
        %get3A_455 = arith.index_cast %get3A_454 : i32 to index
        %get3A_456 = arith.index_cast %scan3A_453 : i32 to index
        %get3A_457 = arith.constant 0 : index
        %get3A_458 = tpu.vector_load %arg6[%get3A_455, %get3A_456, %get3A_457] {strides = array<i32>} : memref<4x208x64xf32, #tpu.memory_space<vmem>>, vector<1x1x16xf32>,
        %get3A_459 = vector.shape_cast %get3A_458 : vector<1x1x16xf32> to vector<16xf32>
        %add3A_460 = arith.addf %add3A_430, %get3A_459 : vector<16xf32>
        %get3A_461 = arith.constant 2 : i32
        %get3A_462 = arith.index_cast %get3A_461 : i32 to index
        %get3A_463 = arith.index_cast %scan3A_453 : i32 to index
        %get3A_464 = arith.constant 16 : index
        %get3A_465 = tpu.vector_load %arg6[%get3A_462, %get3A_463, %get3A_464] {strides = array<i32>} : memref<4x208x64xf32, #tpu.memory_space<vmem>>, vector<1x1x16xf32>,
        %get3A_466 = vector.shape_cast %get3A_465 : vector<1x1x16xf32> to vector<16xf32>
        %add3A_467 = arith.addf %add3A_437, %get3A_466 : vector<16xf32>
        %get3A_468 = arith.constant 2 : i32
        %get3A_469 = arith.index_cast %get3A_468 : i32 to index
        %get3A_470 = arith.index_cast %scan3A_453 : i32 to index
        %get3A_471 = arith.constant 32 : index
        %get3A_472 = tpu.vector_load %arg6[%get3A_469, %get3A_470, %get3A_471] {strides = array<i32>} : memref<4x208x64xf32, #tpu.memory_space<vmem>>, vector<1x1x16xf32>,
        %get3A_473 = vector.shape_cast %get3A_472 : vector<1x1x16xf32> to vector<16xf32>
        %add3A_474 = arith.addf %add3A_444, %get3A_473 : vector<16xf32>
        %get3A_475 = arith.constant 2 : i32
        %get3A_476 = arith.index_cast %get3A_475 : i32 to index
        %get3A_477 = arith.index_cast %scan3A_453 : i32 to index
        %get3A_478 = arith.constant 48 : index
        %get3A_479 = tpu.vector_load %arg6[%get3A_476, %get3A_477, %get3A_478] {strides = array<i32>} : memref<4x208x64xf32, #tpu.memory_space<vmem>>, vector<1x1x16xf32>,
        %get3A_480 = vector.shape_cast %get3A_479 : vector<1x1x16xf32> to vector<16xf32>
        %add3A_481 = arith.addf %add3A_451, %get3A_480 : vector<16xf32>
        %scan3A_482 = arith.constant 7 : i32
        %scan3A_483 = arith.addi %scan3A_270, %scan3A_482 : i32
        %get3A_484 = arith.constant 2 : i32
        %get3A_485 = arith.index_cast %get3A_484 : i32 to index
        %get3A_486 = arith.index_cast %scan3A_483 : i32 to index
        %get3A_487 = arith.constant 0 : index
        %get3A_488 = tpu.vector_load %arg6[%get3A_485, %get3A_486, %get3A_487] {strides = array<i32>} : memref<4x208x64xf32, #tpu.memory_space<vmem>>, vector<1x1x16xf32>,
        %get3A_489 = vector.shape_cast %get3A_488 : vector<1x1x16xf32> to vector<16xf32>
        %add3A_490 = arith.addf %add3A_460, %get3A_489 : vector<16xf32>
        %get3A_491 = arith.constant 2 : i32
        %get3A_492 = arith.index_cast %get3A_491 : i32 to index
        %get3A_493 = arith.index_cast %scan3A_483 : i32 to index
        %get3A_494 = arith.constant 16 : index
        %get3A_495 = tpu.vector_load %arg6[%get3A_492, %get3A_493, %get3A_494] {strides = array<i32>} : memref<4x208x64xf32, #tpu.memory_space<vmem>>, vector<1x1x16xf32>,
        %get3A_496 = vector.shape_cast %get3A_495 : vector<1x1x16xf32> to vector<16xf32>
        %add3A_497 = arith.addf %add3A_467, %get3A_496 : vector<16xf32>
        %get3A_498 = arith.constant 2 : i32
        %get3A_499 = arith.index_cast %get3A_498 : i32 to index
        %get3A_500 = arith.index_cast %scan3A_483 : i32 to index
        %get3A_501 = arith.constant 32 : index
        %get3A_502 = tpu.vector_load %arg6[%get3A_499, %get3A_500, %get3A_501] {strides = array<i32>} : memref<4x208x64xf32, #tpu.memory_space<vmem>>, vector<1x1x16xf32>,
        %get3A_503 = vector.shape_cast %get3A_502 : vector<1x1x16xf32> to vector<16xf32>
        %add3A_504 = arith.addf %add3A_474, %get3A_503 : vector<16xf32>
        %get3A_505 = arith.constant 2 : i32
        %get3A_506 = arith.index_cast %get3A_505 : i32 to index
        %get3A_507 = arith.index_cast %scan3A_483 : i32 to index
        %get3A_508 = arith.constant 48 : index
        %get3A_509 = tpu.vector_load %arg6[%get3A_506, %get3A_507, %get3A_508] {strides = array<i32>} : memref<4x208x64xf32, #tpu.memory_space<vmem>>, vector<1x1x16xf32>,
        %get3A_510 = vector.shape_cast %get3A_509 : vector<1x1x16xf32> to vector<16xf32>
        %add3A_511 = arith.addf %add3A_481, %get3A_510 : vector<16xf32>
        scf.yield %add3A_490, %add3A_497, %add3A_504, %add3A_511 : vector<16xf32>, vector<16xf32>, vector<16xf32>, vector<16xf32>
      }
      %scan3A_192 = arith.constant 208 : i32
      %swap3A_193 = arith.index_cast %add3A_169 : i32 to index
      %swap3A_194 = arith.constant 0 : index
      %swap3A_195 = tpu.vector_load %arg7[%swap3A_193, %swap3A_194] {strides = array<i32>} : memref<128x64xf32, #tpu.memory_space<vmem>>, vector<1x16xf32>,
      %swap3A_196 = vector.shape_cast %swap3A_195 : vector<1x16xf32> to vector<16xf32>
      %swap3A_197 = vector.shape_cast %scan3A_191#0 : vector<16xf32> to vector<1x16xf32>
      tpu.vector_store %arg7[%swap3A_193, %swap3A_194], %swap3A_197 {strides = array<i32>} : memref<128x64xf32, #tpu.memory_space<vmem>>, vector<1x16xf32>,
      %swap3A_198 = arith.index_cast %add3A_169 : i32 to index
      %swap3A_199 = arith.constant 16 : index
      %swap3A_200 = tpu.vector_load %arg7[%swap3A_198, %swap3A_199] {strides = array<i32>} : memref<128x64xf32, #tpu.memory_space<vmem>>, vector<1x16xf32>,
      %swap3A_201 = vector.shape_cast %swap3A_200 : vector<1x16xf32> to vector<16xf32>
      %swap3A_202 = vector.shape_cast %scan3A_191#1 : vector<16xf32> to vector<1x16xf32>
      tpu.vector_store %arg7[%swap3A_198, %swap3A_199], %swap3A_202 {strides = array<i32>} : memref<128x64xf32, #tpu.memory_space<vmem>>, vector<1x16xf32>,
      %swap3A_203 = arith.index_cast %add3A_169 : i32 to index
      %swap3A_204 = arith.constant 32 : index
      %swap3A_205 = tpu.vector_load %arg7[%swap3A_203, %swap3A_204] {strides = array<i32>} : memref<128x64xf32, #tpu.memory_space<vmem>>, vector<1x16xf32>,
      %swap3A_206 = vector.shape_cast %swap3A_205 : vector<1x16xf32> to vector<16xf32>
      %swap3A_207 = vector.shape_cast %scan3A_191#2 : vector<16xf32> to vector<1x16xf32>
      tpu.vector_store %arg7[%swap3A_203, %swap3A_204], %swap3A_207 {strides = array<i32>} : memref<128x64xf32, #tpu.memory_space<vmem>>, vector<1x16xf32>,
      %swap3A_208 = arith.index_cast %add3A_169 : i32 to index
      %swap3A_209 = arith.constant 48 : index
      %swap3A_210 = tpu.vector_load %arg7[%swap3A_208, %swap3A_209] {strides = array<i32>} : memref<128x64xf32, #tpu.memory_space<vmem>>, vector<1x16xf32>,
      %swap3A_211 = vector.shape_cast %swap3A_210 : vector<1x16xf32> to vector<16xf32>
      %swap3A_212 = vector.shape_cast %scan3A_191#3 : vector<16xf32> to vector<1x16xf32>
      tpu.vector_store %arg7[%swap3A_208, %swap3A_209], %swap3A_212 {strides = array<i32>} : memref<128x64xf32, #tpu.memory_space<vmem>>, vector<1x16xf32>,
      %lt3A_213 = arith.constant 31 : i32
      %lt3A_214 = arith.cmpi slt, %scan3A_67, %lt3A_213 : i32
      %convert_element_type3A_215 = arith.extui %lt3A_214 : i1 to i32
      %cond3A_216 = arith.constant 0 : i32
      %cond3A_217 = arith.cmpi ne, %convert_element_type3A_215, %cond3A_216 : i32
      scf.if %cond3A_217 {
        %add3A_270 = arith.constant 4 : i32
        %add3A_271 = arith.addi %add3A_169, %add3A_270 : i32
        %dma_start3A_272 = arith.constant 2 : i32
        %dma_start3A_273 = arith.constant 2 : i32
        %dma_start3A_274 = arith.constant 0 : i32
        %dma_start3A_275 = arith.constant 0 : i32
        %dma_start3A_276 = tpu.memref_slice %arg6[%dma_start3A_272, %dma_start3A_274, %dma_start3A_275] : memref<4x208x64xf32, #tpu.memory_space<vmem>> -> memref<1x208x64xf32, #tpu.memory_space<vmem>>
        %dma_start3A_277 = tpu.memref_squeeze %dma_start3A_276 : memref<1x208x64xf32, #tpu.memory_space<vmem>> -> memref<208x64xf32, #tpu.memory_space<vmem>>
        %dma_start3A_278 = arith.constant 0 : i32
        %dma_start3A_279 = tpu.memref_slice %arg5[%add3A_271, %dma_start3A_278] : memref<128x208xi32, #tpu.memory_space<vmem>> -> memref<1x208xi32, #tpu.memory_space<vmem>>
        %dma_start3A_280 = tpu.memref_squeeze %dma_start3A_279 : memref<1x208xi32, #tpu.memory_space<vmem>> -> memref<208xi32, #tpu.memory_space<vmem>>
        %dma_start3A_281 = arith.constant 0 : i32
        %dma_start3A_282 = arith.constant 0 : i32
        %dma_start3A_283 = tpu.memref_slice %arg3[%dma_start3A_281, %dma_start3A_282] : memref<1000000x64xf32, #tpu.memory_space<hbm>> -> memref<1000000x64xf32, #tpu.memory_space<hbm>>
        %dma_start3A_284 = tpu.memref_slice %arg8[%dma_start3A_273] : memref<4x!tpu.dma_semaphore, #tpu.memory_space<semaphore_mem>> -> memref<1x!tpu.dma_semaphore, #tpu.memory_space<semaphore_mem>>
        %dma_start3A_285 = tpu.memref_squeeze %dma_start3A_284 : memref<1x!tpu.dma_semaphore, #tpu.memory_space<semaphore_mem>> -> memref<!tpu.dma_semaphore, #tpu.memory_space<semaphore_mem>>
        tpu.enqueue_indirect_dma source(%dma_start3A_283 : memref<1000000x64xf32, #tpu.memory_space<hbm>>) target(%dma_start3A_277 : memref<208x64xf32, #tpu.memory_space<vmem>>) offsets(%dma_start3A_280 : memref<208xi32, #tpu.memory_space<vmem>>) semaphore(%dma_start3A_285 : memref<!tpu.dma_semaphore, #tpu.memory_space<semaphore_mem>>)
      } else {
      }
      %mul3A_218 = arith.constant 4 : i32
      %mul3A_219 = arith.muli %scan3A_67, %mul3A_218 : i32
      %add3A_220 = arith.constant 3 : i32
      %add3A_221 = arith.addi %mul3A_219, %add3A_220 : i32
      %dma_wait3A_222 = arith.constant 0 : i32
      %dma_wait3A_223 = arith.constant 3 : i32
      %dma_wait3A_224 = arith.constant 3 : i32
      %dma_wait3A_225 = arith.constant 0 : i32
      %dma_wait3A_226 = arith.constant 0 : i32
      %dma_wait3A_227 = tpu.memref_slice %arg6[%dma_wait3A_223, %dma_wait3A_225, %dma_wait3A_226] : memref<4x208x64xf32, #tpu.memory_space<vmem>> -> memref<1x208x64xf32, #tpu.memory_space<vmem>>
      %dma_wait3A_228 = tpu.memref_squeeze %dma_wait3A_227 : memref<1x208x64xf32, #tpu.memory_space<vmem>> -> memref<208x64xf32, #tpu.memory_space<vmem>>
      %dma_wait3A_229 = arith.constant 0 : i32
      %dma_wait3A_230 = tpu.memref_slice %arg5[%dma_wait3A_222, %dma_wait3A_229] : memref<128x208xi32, #tpu.memory_space<vmem>> -> memref<1x208xi32, #tpu.memory_space<vmem>>
      %dma_wait3A_231 = tpu.memref_squeeze %dma_wait3A_230 : memref<1x208xi32, #tpu.memory_space<vmem>> -> memref<208xi32, #tpu.memory_space<vmem>>
      %dma_wait3A_232 = arith.constant 0 : i32
      %dma_wait3A_233 = arith.constant 0 : i32
      %dma_wait3A_234 = tpu.memref_slice %arg3[%dma_wait3A_232, %dma_wait3A_233] : memref<1000000x64xf32, #tpu.memory_space<hbm>> -> memref<1000000x64xf32, #tpu.memory_space<hbm>>
      %dma_wait3A_235 = tpu.memref_slice %arg8[%dma_wait3A_224] : memref<4x!tpu.dma_semaphore, #tpu.memory_space<semaphore_mem>> -> memref<1x!tpu.dma_semaphore, #tpu.memory_space<semaphore_mem>>
      %dma_wait3A_236 = tpu.memref_squeeze %dma_wait3A_235 : memref<1x!tpu.dma_semaphore, #tpu.memory_space<semaphore_mem>> -> memref<!tpu.dma_semaphore, #tpu.memory_space<semaphore_mem>>
      tpu.wait_indirect_dma semaphore(%dma_wait3A_236 : memref<!tpu.dma_semaphore, #tpu.memory_space<semaphore_mem>>) src(%dma_wait3A_234 : memref<1000000x64xf32, #tpu.memory_space<hbm>>) dst(%dma_wait3A_228 : memref<208x64xf32, #tpu.memory_space<vmem>>)
      %broadcast_in_dim3A_237 = arith.constant 0.000000e+00 : f32
      %broadcast_in_dim3A_238 = vector.broadcast %broadcast_in_dim3A_237 : f32 to vector<16xf32>
      %scan3A_239 = arith.constant 0 : i32
      %scan3A_240 = arith.constant 208 : i32
      %scan3A_241 = arith.addi %scan3A_239, %scan3A_240 : i32
      %scan3A_242 = arith.constant 8 : i32
      %scan3A_243:4 = scf.for %scan3A_270 = %scan3A_239 to %scan3A_241 step %scan3A_242 iter_args(%scan3A_271 = %broadcast_in_dim3A_238, %scan3A_272 = %broadcast_in_dim3A_238, %scan3A_273 = %broadcast_in_dim3A_238, %scan3A_274 = %broadcast_in_dim3A_238) -> (vector<16xf32>, vector<16xf32>, vector<16xf32>, vector<16xf32>)  : i32 {
        %get3A = arith.constant 3 : i32
        %get3A_275 = arith.index_cast %get3A : i32 to index
        %get3A_276 = arith.index_cast %scan3A_270 : i32 to index
        %get3A_277 = arith.constant 0 : index
        %get3A_278 = tpu.vector_load %arg6[%get3A_275, %get3A_276, %get3A_277] {strides = array<i32>} : memref<4x208x64xf32, #tpu.memory_space<vmem>>, vector<1x1x16xf32>,
        %get3A_279 = vector.shape_cast %get3A_278 : vector<1x1x16xf32> to vector<16xf32>
        %add3A_280 = arith.addf %scan3A_271, %get3A_279 : vector<16xf32>
        %get3A_281 = arith.constant 3 : i32
        %get3A_282 = arith.index_cast %get3A_281 : i32 to index
        %get3A_283 = arith.index_cast %scan3A_270 : i32 to index
        %get3A_284 = arith.constant 16 : index
        %get3A_285 = tpu.vector_load %arg6[%get3A_282, %get3A_283, %get3A_284] {strides = array<i32>} : memref<4x208x64xf32, #tpu.memory_space<vmem>>, vector<1x1x16xf32>,
        %get3A_286 = vector.shape_cast %get3A_285 : vector<1x1x16xf32> to vector<16xf32>
        %add3A_287 = arith.addf %scan3A_272, %get3A_286 : vector<16xf32>
        %get3A_288 = arith.constant 3 : i32
        %get3A_289 = arith.index_cast %get3A_288 : i32 to index
        %get3A_290 = arith.index_cast %scan3A_270 : i32 to index
        %get3A_291 = arith.constant 32 : index
        %get3A_292 = tpu.vector_load %arg6[%get3A_289, %get3A_290, %get3A_291] {strides = array<i32>} : memref<4x208x64xf32, #tpu.memory_space<vmem>>, vector<1x1x16xf32>,
        %get3A_293 = vector.shape_cast %get3A_292 : vector<1x1x16xf32> to vector<16xf32>
        %add3A_294 = arith.addf %scan3A_273, %get3A_293 : vector<16xf32>
        %get3A_295 = arith.constant 3 : i32
        %get3A_296 = arith.index_cast %get3A_295 : i32 to index
        %get3A_297 = arith.index_cast %scan3A_270 : i32 to index
        %get3A_298 = arith.constant 48 : index
        %get3A_299 = tpu.vector_load %arg6[%get3A_296, %get3A_297, %get3A_298] {strides = array<i32>} : memref<4x208x64xf32, #tpu.memory_space<vmem>>, vector<1x1x16xf32>,
        %get3A_300 = vector.shape_cast %get3A_299 : vector<1x1x16xf32> to vector<16xf32>
        %add3A_301 = arith.addf %scan3A_274, %get3A_300 : vector<16xf32>
        %scan3A_302 = arith.constant 1 : i32
        %scan3A_303 = arith.addi %scan3A_270, %scan3A_302 : i32
        %get3A_304 = arith.constant 3 : i32
        %get3A_305 = arith.index_cast %get3A_304 : i32 to index
        %get3A_306 = arith.index_cast %scan3A_303 : i32 to index
        %get3A_307 = arith.constant 0 : index
        %get3A_308 = tpu.vector_load %arg6[%get3A_305, %get3A_306, %get3A_307] {strides = array<i32>} : memref<4x208x64xf32, #tpu.memory_space<vmem>>, vector<1x1x16xf32>,
        %get3A_309 = vector.shape_cast %get3A_308 : vector<1x1x16xf32> to vector<16xf32>
        %add3A_310 = arith.addf %add3A_280, %get3A_309 : vector<16xf32>
        %get3A_311 = arith.constant 3 : i32
        %get3A_312 = arith.index_cast %get3A_311 : i32 to index
        %get3A_313 = arith.index_cast %scan3A_303 : i32 to index
        %get3A_314 = arith.constant 16 : index
        %get3A_315 = tpu.vector_load %arg6[%get3A_312, %get3A_313, %get3A_314] {strides = array<i32>} : memref<4x208x64xf32, #tpu.memory_space<vmem>>, vector<1x1x16xf32>,
        %get3A_316 = vector.shape_cast %get3A_315 : vector<1x1x16xf32> to vector<16xf32>
        %add3A_317 = arith.addf %add3A_287, %get3A_316 : vector<16xf32>
        %get3A_318 = arith.constant 3 : i32
        %get3A_319 = arith.index_cast %get3A_318 : i32 to index
        %get3A_320 = arith.index_cast %scan3A_303 : i32 to index
        %get3A_321 = arith.constant 32 : index
        %get3A_322 = tpu.vector_load %arg6[%get3A_319, %get3A_320, %get3A_321] {strides = array<i32>} : memref<4x208x64xf32, #tpu.memory_space<vmem>>, vector<1x1x16xf32>,
        %get3A_323 = vector.shape_cast %get3A_322 : vector<1x1x16xf32> to vector<16xf32>
        %add3A_324 = arith.addf %add3A_294, %get3A_323 : vector<16xf32>
        %get3A_325 = arith.constant 3 : i32
        %get3A_326 = arith.index_cast %get3A_325 : i32 to index
        %get3A_327 = arith.index_cast %scan3A_303 : i32 to index
        %get3A_328 = arith.constant 48 : index
        %get3A_329 = tpu.vector_load %arg6[%get3A_326, %get3A_327, %get3A_328] {strides = array<i32>} : memref<4x208x64xf32, #tpu.memory_space<vmem>>, vector<1x1x16xf32>,
        %get3A_330 = vector.shape_cast %get3A_329 : vector<1x1x16xf32> to vector<16xf32>
        %add3A_331 = arith.addf %add3A_301, %get3A_330 : vector<16xf32>
        %scan3A_332 = arith.constant 2 : i32
        %scan3A_333 = arith.addi %scan3A_270, %scan3A_332 : i32
        %get3A_334 = arith.constant 3 : i32
        %get3A_335 = arith.index_cast %get3A_334 : i32 to index
        %get3A_336 = arith.index_cast %scan3A_333 : i32 to index
        %get3A_337 = arith.constant 0 : index
        %get3A_338 = tpu.vector_load %arg6[%get3A_335, %get3A_336, %get3A_337] {strides = array<i32>} : memref<4x208x64xf32, #tpu.memory_space<vmem>>, vector<1x1x16xf32>,
        %get3A_339 = vector.shape_cast %get3A_338 : vector<1x1x16xf32> to vector<16xf32>
        %add3A_340 = arith.addf %add3A_310, %get3A_339 : vector<16xf32>
        %get3A_341 = arith.constant 3 : i32
        %get3A_342 = arith.index_cast %get3A_341 : i32 to index
        %get3A_343 = arith.index_cast %scan3A_333 : i32 to index
        %get3A_344 = arith.constant 16 : index
        %get3A_345 = tpu.vector_load %arg6[%get3A_342, %get3A_343, %get3A_344] {strides = array<i32>} : memref<4x208x64xf32, #tpu.memory_space<vmem>>, vector<1x1x16xf32>,
        %get3A_346 = vector.shape_cast %get3A_345 : vector<1x1x16xf32> to vector<16xf32>
        %add3A_347 = arith.addf %add3A_317, %get3A_346 : vector<16xf32>
        %get3A_348 = arith.constant 3 : i32
        %get3A_349 = arith.index_cast %get3A_348 : i32 to index
        %get3A_350 = arith.index_cast %scan3A_333 : i32 to index
        %get3A_351 = arith.constant 32 : index
        %get3A_352 = tpu.vector_load %arg6[%get3A_349, %get3A_350, %get3A_351] {strides = array<i32>} : memref<4x208x64xf32, #tpu.memory_space<vmem>>, vector<1x1x16xf32>,
        %get3A_353 = vector.shape_cast %get3A_352 : vector<1x1x16xf32> to vector<16xf32>
        %add3A_354 = arith.addf %add3A_324, %get3A_353 : vector<16xf32>
        %get3A_355 = arith.constant 3 : i32
        %get3A_356 = arith.index_cast %get3A_355 : i32 to index
        %get3A_357 = arith.index_cast %scan3A_333 : i32 to index
        %get3A_358 = arith.constant 48 : index
        %get3A_359 = tpu.vector_load %arg6[%get3A_356, %get3A_357, %get3A_358] {strides = array<i32>} : memref<4x208x64xf32, #tpu.memory_space<vmem>>, vector<1x1x16xf32>,
        %get3A_360 = vector.shape_cast %get3A_359 : vector<1x1x16xf32> to vector<16xf32>
        %add3A_361 = arith.addf %add3A_331, %get3A_360 : vector<16xf32>
        %scan3A_362 = arith.constant 3 : i32
        %scan3A_363 = arith.addi %scan3A_270, %scan3A_362 : i32
        %get3A_364 = arith.constant 3 : i32
        %get3A_365 = arith.index_cast %get3A_364 : i32 to index
        %get3A_366 = arith.index_cast %scan3A_363 : i32 to index
        %get3A_367 = arith.constant 0 : index
        %get3A_368 = tpu.vector_load %arg6[%get3A_365, %get3A_366, %get3A_367] {strides = array<i32>} : memref<4x208x64xf32, #tpu.memory_space<vmem>>, vector<1x1x16xf32>,
        %get3A_369 = vector.shape_cast %get3A_368 : vector<1x1x16xf32> to vector<16xf32>
        %add3A_370 = arith.addf %add3A_340, %get3A_369 : vector<16xf32>
        %get3A_371 = arith.constant 3 : i32
        %get3A_372 = arith.index_cast %get3A_371 : i32 to index
        %get3A_373 = arith.index_cast %scan3A_363 : i32 to index
        %get3A_374 = arith.constant 16 : index
        %get3A_375 = tpu.vector_load %arg6[%get3A_372, %get3A_373, %get3A_374] {strides = array<i32>} : memref<4x208x64xf32, #tpu.memory_space<vmem>>, vector<1x1x16xf32>,
        %get3A_376 = vector.shape_cast %get3A_375 : vector<1x1x16xf32> to vector<16xf32>
        %add3A_377 = arith.addf %add3A_347, %get3A_376 : vector<16xf32>
        %get3A_378 = arith.constant 3 : i32
        %get3A_379 = arith.index_cast %get3A_378 : i32 to index
        %get3A_380 = arith.index_cast %scan3A_363 : i32 to index
        %get3A_381 = arith.constant 32 : index
        %get3A_382 = tpu.vector_load %arg6[%get3A_379, %get3A_380, %get3A_381] {strides = array<i32>} : memref<4x208x64xf32, #tpu.memory_space<vmem>>, vector<1x1x16xf32>,
        %get3A_383 = vector.shape_cast %get3A_382 : vector<1x1x16xf32> to vector<16xf32>
        %add3A_384 = arith.addf %add3A_354, %get3A_383 : vector<16xf32>
        %get3A_385 = arith.constant 3 : i32
        %get3A_386 = arith.index_cast %get3A_385 : i32 to index
        %get3A_387 = arith.index_cast %scan3A_363 : i32 to index
        %get3A_388 = arith.constant 48 : index
        %get3A_389 = tpu.vector_load %arg6[%get3A_386, %get3A_387, %get3A_388] {strides = array<i32>} : memref<4x208x64xf32, #tpu.memory_space<vmem>>, vector<1x1x16xf32>,
        %get3A_390 = vector.shape_cast %get3A_389 : vector<1x1x16xf32> to vector<16xf32>
        %add3A_391 = arith.addf %add3A_361, %get3A_390 : vector<16xf32>
        %scan3A_392 = arith.constant 4 : i32
        %scan3A_393 = arith.addi %scan3A_270, %scan3A_392 : i32
        %get3A_394 = arith.constant 3 : i32
        %get3A_395 = arith.index_cast %get3A_394 : i32 to index
        %get3A_396 = arith.index_cast %scan3A_393 : i32 to index
        %get3A_397 = arith.constant 0 : index
        %get3A_398 = tpu.vector_load %arg6[%get3A_395, %get3A_396, %get3A_397] {strides = array<i32>} : memref<4x208x64xf32, #tpu.memory_space<vmem>>, vector<1x1x16xf32>,
        %get3A_399 = vector.shape_cast %get3A_398 : vector<1x1x16xf32> to vector<16xf32>
        %add3A_400 = arith.addf %add3A_370, %get3A_399 : vector<16xf32>
        %get3A_401 = arith.constant 3 : i32
        %get3A_402 = arith.index_cast %get3A_401 : i32 to index
        %get3A_403 = arith.index_cast %scan3A_393 : i32 to index
        %get3A_404 = arith.constant 16 : index
        %get3A_405 = tpu.vector_load %arg6[%get3A_402, %get3A_403, %get3A_404] {strides = array<i32>} : memref<4x208x64xf32, #tpu.memory_space<vmem>>, vector<1x1x16xf32>,
        %get3A_406 = vector.shape_cast %get3A_405 : vector<1x1x16xf32> to vector<16xf32>
        %add3A_407 = arith.addf %add3A_377, %get3A_406 : vector<16xf32>
        %get3A_408 = arith.constant 3 : i32
        %get3A_409 = arith.index_cast %get3A_408 : i32 to index
        %get3A_410 = arith.index_cast %scan3A_393 : i32 to index
        %get3A_411 = arith.constant 32 : index
        %get3A_412 = tpu.vector_load %arg6[%get3A_409, %get3A_410, %get3A_411] {strides = array<i32>} : memref<4x208x64xf32, #tpu.memory_space<vmem>>, vector<1x1x16xf32>,
        %get3A_413 = vector.shape_cast %get3A_412 : vector<1x1x16xf32> to vector<16xf32>
        %add3A_414 = arith.addf %add3A_384, %get3A_413 : vector<16xf32>
        %get3A_415 = arith.constant 3 : i32
        %get3A_416 = arith.index_cast %get3A_415 : i32 to index
        %get3A_417 = arith.index_cast %scan3A_393 : i32 to index
        %get3A_418 = arith.constant 48 : index
        %get3A_419 = tpu.vector_load %arg6[%get3A_416, %get3A_417, %get3A_418] {strides = array<i32>} : memref<4x208x64xf32, #tpu.memory_space<vmem>>, vector<1x1x16xf32>,
        %get3A_420 = vector.shape_cast %get3A_419 : vector<1x1x16xf32> to vector<16xf32>
        %add3A_421 = arith.addf %add3A_391, %get3A_420 : vector<16xf32>
        %scan3A_422 = arith.constant 5 : i32
        %scan3A_423 = arith.addi %scan3A_270, %scan3A_422 : i32
        %get3A_424 = arith.constant 3 : i32
        %get3A_425 = arith.index_cast %get3A_424 : i32 to index
        %get3A_426 = arith.index_cast %scan3A_423 : i32 to index
        %get3A_427 = arith.constant 0 : index
        %get3A_428 = tpu.vector_load %arg6[%get3A_425, %get3A_426, %get3A_427] {strides = array<i32>} : memref<4x208x64xf32, #tpu.memory_space<vmem>>, vector<1x1x16xf32>,
        %get3A_429 = vector.shape_cast %get3A_428 : vector<1x1x16xf32> to vector<16xf32>
        %add3A_430 = arith.addf %add3A_400, %get3A_429 : vector<16xf32>
        %get3A_431 = arith.constant 3 : i32
        %get3A_432 = arith.index_cast %get3A_431 : i32 to index
        %get3A_433 = arith.index_cast %scan3A_423 : i32 to index
        %get3A_434 = arith.constant 16 : index
        %get3A_435 = tpu.vector_load %arg6[%get3A_432, %get3A_433, %get3A_434] {strides = array<i32>} : memref<4x208x64xf32, #tpu.memory_space<vmem>>, vector<1x1x16xf32>,
        %get3A_436 = vector.shape_cast %get3A_435 : vector<1x1x16xf32> to vector<16xf32>
        %add3A_437 = arith.addf %add3A_407, %get3A_436 : vector<16xf32>
        %get3A_438 = arith.constant 3 : i32
        %get3A_439 = arith.index_cast %get3A_438 : i32 to index
        %get3A_440 = arith.index_cast %scan3A_423 : i32 to index
        %get3A_441 = arith.constant 32 : index
        %get3A_442 = tpu.vector_load %arg6[%get3A_439, %get3A_440, %get3A_441] {strides = array<i32>} : memref<4x208x64xf32, #tpu.memory_space<vmem>>, vector<1x1x16xf32>,
        %get3A_443 = vector.shape_cast %get3A_442 : vector<1x1x16xf32> to vector<16xf32>
        %add3A_444 = arith.addf %add3A_414, %get3A_443 : vector<16xf32>
        %get3A_445 = arith.constant 3 : i32
        %get3A_446 = arith.index_cast %get3A_445 : i32 to index
        %get3A_447 = arith.index_cast %scan3A_423 : i32 to index
        %get3A_448 = arith.constant 48 : index
        %get3A_449 = tpu.vector_load %arg6[%get3A_446, %get3A_447, %get3A_448] {strides = array<i32>} : memref<4x208x64xf32, #tpu.memory_space<vmem>>, vector<1x1x16xf32>,
        %get3A_450 = vector.shape_cast %get3A_449 : vector<1x1x16xf32> to vector<16xf32>
        %add3A_451 = arith.addf %add3A_421, %get3A_450 : vector<16xf32>
        %scan3A_452 = arith.constant 6 : i32
        %scan3A_453 = arith.addi %scan3A_270, %scan3A_452 : i32
        %get3A_454 = arith.constant 3 : i32
        %get3A_455 = arith.index_cast %get3A_454 : i32 to index
        %get3A_456 = arith.index_cast %scan3A_453 : i32 to index
        %get3A_457 = arith.constant 0 : index
        %get3A_458 = tpu.vector_load %arg6[%get3A_455, %get3A_456, %get3A_457] {strides = array<i32>} : memref<4x208x64xf32, #tpu.memory_space<vmem>>, vector<1x1x16xf32>,
        %get3A_459 = vector.shape_cast %get3A_458 : vector<1x1x16xf32> to vector<16xf32>
        %add3A_460 = arith.addf %add3A_430, %get3A_459 : vector<16xf32>
        %get3A_461 = arith.constant 3 : i32
        %get3A_462 = arith.index_cast %get3A_461 : i32 to index
        %get3A_463 = arith.index_cast %scan3A_453 : i32 to index
        %get3A_464 = arith.constant 16 : index
        %get3A_465 = tpu.vector_load %arg6[%get3A_462, %get3A_463, %get3A_464] {strides = array<i32>} : memref<4x208x64xf32, #tpu.memory_space<vmem>>, vector<1x1x16xf32>,
        %get3A_466 = vector.shape_cast %get3A_465 : vector<1x1x16xf32> to vector<16xf32>
        %add3A_467 = arith.addf %add3A_437, %get3A_466 : vector<16xf32>
        %get3A_468 = arith.constant 3 : i32
        %get3A_469 = arith.index_cast %get3A_468 : i32 to index
        %get3A_470 = arith.index_cast %scan3A_453 : i32 to index
        %get3A_471 = arith.constant 32 : index
        %get3A_472 = tpu.vector_load %arg6[%get3A_469, %get3A_470, %get3A_471] {strides = array<i32>} : memref<4x208x64xf32, #tpu.memory_space<vmem>>, vector<1x1x16xf32>,
        %get3A_473 = vector.shape_cast %get3A_472 : vector<1x1x16xf32> to vector<16xf32>
        %add3A_474 = arith.addf %add3A_444, %get3A_473 : vector<16xf32>
        %get3A_475 = arith.constant 3 : i32
        %get3A_476 = arith.index_cast %get3A_475 : i32 to index
        %get3A_477 = arith.index_cast %scan3A_453 : i32 to index
        %get3A_478 = arith.constant 48 : index
        %get3A_479 = tpu.vector_load %arg6[%get3A_476, %get3A_477, %get3A_478] {strides = array<i32>} : memref<4x208x64xf32, #tpu.memory_space<vmem>>, vector<1x1x16xf32>,
        %get3A_480 = vector.shape_cast %get3A_479 : vector<1x1x16xf32> to vector<16xf32>
        %add3A_481 = arith.addf %add3A_451, %get3A_480 : vector<16xf32>
        %scan3A_482 = arith.constant 7 : i32
        %scan3A_483 = arith.addi %scan3A_270, %scan3A_482 : i32
        %get3A_484 = arith.constant 3 : i32
        %get3A_485 = arith.index_cast %get3A_484 : i32 to index
        %get3A_486 = arith.index_cast %scan3A_483 : i32 to index
        %get3A_487 = arith.constant 0 : index
        %get3A_488 = tpu.vector_load %arg6[%get3A_485, %get3A_486, %get3A_487] {strides = array<i32>} : memref<4x208x64xf32, #tpu.memory_space<vmem>>, vector<1x1x16xf32>,
        %get3A_489 = vector.shape_cast %get3A_488 : vector<1x1x16xf32> to vector<16xf32>
        %add3A_490 = arith.addf %add3A_460, %get3A_489 : vector<16xf32>
        %get3A_491 = arith.constant 3 : i32
        %get3A_492 = arith.index_cast %get3A_491 : i32 to index
        %get3A_493 = arith.index_cast %scan3A_483 : i32 to index
        %get3A_494 = arith.constant 16 : index
        %get3A_495 = tpu.vector_load %arg6[%get3A_492, %get3A_493, %get3A_494] {strides = array<i32>} : memref<4x208x64xf32, #tpu.memory_space<vmem>>, vector<1x1x16xf32>,
        %get3A_496 = vector.shape_cast %get3A_495 : vector<1x1x16xf32> to vector<16xf32>
        %add3A_497 = arith.addf %add3A_467, %get3A_496 : vector<16xf32>
        %get3A_498 = arith.constant 3 : i32
        %get3A_499 = arith.index_cast %get3A_498 : i32 to index
        %get3A_500 = arith.index_cast %scan3A_483 : i32 to index
        %get3A_501 = arith.constant 32 : index
        %get3A_502 = tpu.vector_load %arg6[%get3A_499, %get3A_500, %get3A_501] {strides = array<i32>} : memref<4x208x64xf32, #tpu.memory_space<vmem>>, vector<1x1x16xf32>,
        %get3A_503 = vector.shape_cast %get3A_502 : vector<1x1x16xf32> to vector<16xf32>
        %add3A_504 = arith.addf %add3A_474, %get3A_503 : vector<16xf32>
        %get3A_505 = arith.constant 3 : i32
        %get3A_506 = arith.index_cast %get3A_505 : i32 to index
        %get3A_507 = arith.index_cast %scan3A_483 : i32 to index
        %get3A_508 = arith.constant 48 : index
        %get3A_509 = tpu.vector_load %arg6[%get3A_506, %get3A_507, %get3A_508] {strides = array<i32>} : memref<4x208x64xf32, #tpu.memory_space<vmem>>, vector<1x1x16xf32>,
        %get3A_510 = vector.shape_cast %get3A_509 : vector<1x1x16xf32> to vector<16xf32>
        %add3A_511 = arith.addf %add3A_481, %get3A_510 : vector<16xf32>
        scf.yield %add3A_490, %add3A_497, %add3A_504, %add3A_511 : vector<16xf32>, vector<16xf32>, vector<16xf32>, vector<16xf32>
      }
      %scan3A_244 = arith.constant 208 : i32
      %swap3A_245 = arith.index_cast %add3A_221 : i32 to index
      %swap3A_246 = arith.constant 0 : index
      %swap3A_247 = tpu.vector_load %arg7[%swap3A_245, %swap3A_246] {strides = array<i32>} : memref<128x64xf32, #tpu.memory_space<vmem>>, vector<1x16xf32>,
      %swap3A_248 = vector.shape_cast %swap3A_247 : vector<1x16xf32> to vector<16xf32>
      %swap3A_249 = vector.shape_cast %scan3A_243#0 : vector<16xf32> to vector<1x16xf32>
      tpu.vector_store %arg7[%swap3A_245, %swap3A_246], %swap3A_249 {strides = array<i32>} : memref<128x64xf32, #tpu.memory_space<vmem>>, vector<1x16xf32>,
      %swap3A_250 = arith.index_cast %add3A_221 : i32 to index
      %swap3A_251 = arith.constant 16 : index
      %swap3A_252 = tpu.vector_load %arg7[%swap3A_250, %swap3A_251] {strides = array<i32>} : memref<128x64xf32, #tpu.memory_space<vmem>>, vector<1x16xf32>,
      %swap3A_253 = vector.shape_cast %swap3A_252 : vector<1x16xf32> to vector<16xf32>
      %swap3A_254 = vector.shape_cast %scan3A_243#1 : vector<16xf32> to vector<1x16xf32>
      tpu.vector_store %arg7[%swap3A_250, %swap3A_251], %swap3A_254 {strides = array<i32>} : memref<128x64xf32, #tpu.memory_space<vmem>>, vector<1x16xf32>,
      %swap3A_255 = arith.index_cast %add3A_221 : i32 to index
      %swap3A_256 = arith.constant 32 : index
      %swap3A_257 = tpu.vector_load %arg7[%swap3A_255, %swap3A_256] {strides = array<i32>} : memref<128x64xf32, #tpu.memory_space<vmem>>, vector<1x16xf32>,
      %swap3A_258 = vector.shape_cast %swap3A_257 : vector<1x16xf32> to vector<16xf32>
      %swap3A_259 = vector.shape_cast %scan3A_243#2 : vector<16xf32> to vector<1x16xf32>
      tpu.vector_store %arg7[%swap3A_255, %swap3A_256], %swap3A_259 {strides = array<i32>} : memref<128x64xf32, #tpu.memory_space<vmem>>, vector<1x16xf32>,
      %swap3A_260 = arith.index_cast %add3A_221 : i32 to index
      %swap3A_261 = arith.constant 48 : index
      %swap3A_262 = tpu.vector_load %arg7[%swap3A_260, %swap3A_261] {strides = array<i32>} : memref<128x64xf32, #tpu.memory_space<vmem>>, vector<1x16xf32>,
      %swap3A_263 = vector.shape_cast %swap3A_262 : vector<1x16xf32> to vector<16xf32>
      %swap3A_264 = vector.shape_cast %scan3A_243#3 : vector<16xf32> to vector<1x16xf32>
      tpu.vector_store %arg7[%swap3A_260, %swap3A_261], %swap3A_264 {strides = array<i32>} : memref<128x64xf32, #tpu.memory_space<vmem>>, vector<1x16xf32>,
      %lt3A_265 = arith.constant 31 : i32
      %lt3A_266 = arith.cmpi slt, %scan3A_67, %lt3A_265 : i32
      %convert_element_type3A_267 = arith.extui %lt3A_266 : i1 to i32
      %cond3A_268 = arith.constant 0 : i32
      %cond3A_269 = arith.cmpi ne, %convert_element_type3A_267, %cond3A_268 : i32
      scf.if %cond3A_269 {
        %add3A_270 = arith.constant 4 : i32
        %add3A_271 = arith.addi %add3A_221, %add3A_270 : i32
        %dma_start3A_272 = arith.constant 3 : i32
        %dma_start3A_273 = arith.constant 3 : i32
        %dma_start3A_274 = arith.constant 0 : i32
        %dma_start3A_275 = arith.constant 0 : i32
        %dma_start3A_276 = tpu.memref_slice %arg6[%dma_start3A_272, %dma_start3A_274, %dma_start3A_275] : memref<4x208x64xf32, #tpu.memory_space<vmem>> -> memref<1x208x64xf32, #tpu.memory_space<vmem>>
        %dma_start3A_277 = tpu.memref_squeeze %dma_start3A_276 : memref<1x208x64xf32, #tpu.memory_space<vmem>> -> memref<208x64xf32, #tpu.memory_space<vmem>>
        %dma_start3A_278 = arith.constant 0 : i32
        %dma_start3A_279 = tpu.memref_slice %arg5[%add3A_271, %dma_start3A_278] : memref<128x208xi32, #tpu.memory_space<vmem>> -> memref<1x208xi32, #tpu.memory_space<vmem>>
        %dma_start3A_280 = tpu.memref_squeeze %dma_start3A_279 : memref<1x208xi32, #tpu.memory_space<vmem>> -> memref<208xi32, #tpu.memory_space<vmem>>
        %dma_start3A_281 = arith.constant 0 : i32
        %dma_start3A_282 = arith.constant 0 : i32
        %dma_start3A_283 = tpu.memref_slice %arg3[%dma_start3A_281, %dma_start3A_282] : memref<1000000x64xf32, #tpu.memory_space<hbm>> -> memref<1000000x64xf32, #tpu.memory_space<hbm>>
        %dma_start3A_284 = tpu.memref_slice %arg8[%dma_start3A_273] : memref<4x!tpu.dma_semaphore, #tpu.memory_space<semaphore_mem>> -> memref<1x!tpu.dma_semaphore, #tpu.memory_space<semaphore_mem>>
        %dma_start3A_285 = tpu.memref_squeeze %dma_start3A_284 : memref<1x!tpu.dma_semaphore, #tpu.memory_space<semaphore_mem>> -> memref<!tpu.dma_semaphore, #tpu.memory_space<semaphore_mem>>
        tpu.enqueue_indirect_dma source(%dma_start3A_283 : memref<1000000x64xf32, #tpu.memory_space<hbm>>) target(%dma_start3A_277 : memref<208x64xf32, #tpu.memory_space<vmem>>) offsets(%dma_start3A_280 : memref<208xi32, #tpu.memory_space<vmem>>) semaphore(%dma_start3A_285 : memref<!tpu.dma_semaphore, #tpu.memory_space<semaphore_mem>>)
      } else {
      }
    }
    %scan3A_66 = arith.constant 32 : i32
    "tpu.region"() ({
      %run_scoped3A = tpu.sem_alloc : memref<!tpu.dma_semaphore, #tpu.memory_space<semaphore_mem>>
      %dma_start3A_67 = arith.constant 0 : i32
      %dma_start3A_68 = tpu.memref_slice %arg4[%mul3A_2, %dma_start3A_67] : memref<4096x64xf32, #tpu.memory_space<hbm>> -> memref<128x64xf32, #tpu.memory_space<hbm>>
      %dma_start3A_69 = arith.constant 0 : i32
      %dma_start3A_70 = tpu.memref_slice %arg4[%mul3A_2, %dma_start3A_69] : memref<4096x64xf32, #tpu.memory_space<hbm>> -> memref<128x64xf32, #tpu.memory_space<hbm>>
      tpu.enqueue_dma source(%arg7 : memref<128x64xf32, #tpu.memory_space<vmem>>) target(%dma_start3A_70 : memref<128x64xf32, #tpu.memory_space<hbm>>) target_semaphore(%run_scoped3A : memref<!tpu.dma_semaphore, #tpu.memory_space<semaphore_mem>>)
      %dma_wait3A = arith.constant 0 : i32
      %dma_wait3A_71 = tpu.memref_slice %arg4[%mul3A_2, %dma_wait3A] : memref<4096x64xf32, #tpu.memory_space<hbm>> -> memref<128x64xf32, #tpu.memory_space<hbm>>
      %dma_wait3A_72 = arith.constant 0 : i32
      %dma_wait3A_73 = tpu.memref_slice %arg4[%mul3A_2, %dma_wait3A_72] : memref<4096x64xf32, #tpu.memory_space<hbm>> -> memref<128x64xf32, #tpu.memory_space<hbm>>
      tpu.wait_dma2 semaphore(%run_scoped3A : memref<!tpu.dma_semaphore, #tpu.memory_space<semaphore_mem>>) src(%arg7 : memref<128x64xf32, #tpu.memory_space<vmem>>) dst(%dma_wait3A_73 : memref<128x64xf32, #tpu.memory_space<hbm>>)
      tpu.yield
    }) : () -> ()
    return
  }
}

module attributes {stable_mosaic.version = 14 : i64} {
  func.func @_mlp_body(%arg0: i32, %arg1: memref<512x64xf32, #tpu.memory_space<vmem>>, %arg2: memref<512x200xi32, #tpu.memory_space<vmem>>, %arg3: memref<512x1xf32, #tpu.memory_space<vmem>>, %arg4: memref<1x1xi32, #tpu.memory_space<vmem>>, %arg5: memref<1x64xf32, #tpu.memory_space<vmem>>, %arg6: memref<64x256xf32, #tpu.memory_space<vmem>>, %arg7: memref<1x256xf32, #tpu.memory_space<vmem>>, %arg8: memref<256x64xf32, #tpu.memory_space<vmem>>, %arg9: memref<1x64xf32, #tpu.memory_space<vmem>>, %arg10: memref<512x64xf32, #tpu.memory_space<vmem>>) attributes {dimension_semantics = [#tpu.dimension_semantics<arbitrary>], iteration_bounds = array<i64: 8>, scalar_prefetch = 0 : i64, scratch_operands = 0 : i64, tpu.core_type = #tpu.core_type<tc>, window_params = [{transform_indices = @transform_0, window_bounds = array<i64: 512, 64>}, {transform_indices = @transform_1, window_bounds = array<i64: 512, 200>}, {transform_indices = @transform_2, window_bounds = array<i64: 512, 1>}, {pipeline_mode = #tpu.pipeline_mode<synchronous>, transform_indices = @transform_3, window_bounds = array<i64: 1, 1>}, {pipeline_mode = #tpu.pipeline_mode<synchronous>, transform_indices = @transform_4, window_bounds = array<i64: 1, 64>}, {pipeline_mode = #tpu.pipeline_mode<synchronous>, transform_indices = @transform_5, window_bounds = array<i64: 64, 256>}, {pipeline_mode = #tpu.pipeline_mode<synchronous>, transform_indices = @transform_6, window_bounds = array<i64: 1, 256>}, {pipeline_mode = #tpu.pipeline_mode<synchronous>, transform_indices = @transform_7, window_bounds = array<i64: 256, 64>}, {pipeline_mode = #tpu.pipeline_mode<synchronous>, transform_indices = @transform_8, window_bounds = array<i64: 1, 64>}, {transform_indices = @transform_9, window_bounds = array<i64: 512, 64>}]} {
    %get3A = arith.constant 0 : index
    %get3A_0 = arith.constant 0 : index
    %get3A_1 = vector.load %arg2[%get3A, %get3A_0] : memref<512x200xi32, #tpu.memory_space<vmem>>, vector<512x200xi32>
    %get3A_2 = arith.constant 0 : index
    %get3A_3 = arith.constant 0 : index
    %get3A_4 = vector.load %arg4[%get3A_2, %get3A_3] : memref<1x1xi32, #tpu.memory_space<vmem>>, vector<1x1xi32>
    %eq3A = vector.broadcast %get3A_4 : vector<1x1xi32> to vector<512x200xi32>
    %eq3A_5 = arith.cmpi eq, %get3A_1, %eq3A : vector<512x200xi32>
    %convert_element_type3A = arith.extui %eq3A_5 : vector<512x200xi1> to vector<512x200xi32>
    %convert_element_type3A_6 = arith.sitofp %convert_element_type3A : vector<512x200xi32> to vector<512x200xf32>
    %reduce_sum3A = arith.constant dense<0.000000e+00> : vector<512xf32>
    %reduce_sum3A_7 = vector.multi_reduction <add>, %convert_element_type3A_6, %reduce_sum3A [1] : vector<512x200xf32> to vector<512xf32>
    %broadcast_in_dim3A = vector.shape_cast %reduce_sum3A_7 : vector<512xf32> to vector<512x1xf32>
    %add3A = arith.constant 8.000000e+00 : f32
    %add3A_8 = vector.broadcast %add3A : f32 to vector<512x1xf32>
    %add3A_9 = arith.addf %broadcast_in_dim3A, %add3A_8 : vector<512x1xf32>
    %get3A_10 = arith.constant 0 : index
    %get3A_11 = arith.constant 0 : index
    %get3A_12 = vector.load %arg1[%get3A_10, %get3A_11] : memref<512x64xf32, #tpu.memory_space<vmem>>, vector<512x64xf32>
    %get3A_13 = arith.constant 0 : index
    %get3A_14 = arith.constant 0 : index
    %get3A_15 = vector.load %arg5[%get3A_13, %get3A_14] : memref<1x64xf32, #tpu.memory_space<vmem>>, vector<1x64xf32>
    %mul3A = vector.broadcast %add3A_9 : vector<512x1xf32> to vector<512x64xf32>
    %mul3A_16 = vector.broadcast %get3A_15 : vector<1x64xf32> to vector<512x64xf32>
    %mul3A_17 = arith.mulf %mul3A, %mul3A_16 : vector<512x64xf32>
    %sub3A = arith.subf %get3A_12, %mul3A_17 : vector<512x64xf32>
    %get3A_18 = arith.constant 0 : index
    %get3A_19 = arith.constant 0 : index
    %get3A_20 = vector.load %arg3[%get3A_18, %get3A_19] : memref<512x1xf32, #tpu.memory_space<vmem>>, vector<512x1xf32>
    %div3A = vector.broadcast %get3A_20 : vector<512x1xf32> to vector<512x64xf32>
    %div3A_21 = arith.divf %sub3A, %div3A : vector<512x64xf32>
    %get3A_22 = arith.constant 0 : index
    %get3A_23 = arith.constant 0 : index
    %get3A_24 = vector.load %arg6[%get3A_22, %get3A_23] : memref<64x256xf32, #tpu.memory_space<vmem>>, vector<64x256xf32>
    %dot_general3A = arith.constant dense<0.000000e+00> : vector<512x256xf32>
    %dot_general3A_25 = tpu.matmul %div3A_21, %get3A_24, %dot_general3A {dimension_numbers = #tpu.dot_dimension_numbers<[1], [0], [0], [1], [0, 0, 1, 1], [], []>, transpose_lhs_hint = false} : vector<512x64xf32>, vector<64x256xf32>, vector<512x256xf32> -> vector<512x256xf32>
    %get3A_26 = arith.constant 0 : index
    %get3A_27 = arith.constant 0 : index
    %get3A_28 = vector.load %arg7[%get3A_26, %get3A_27] : memref<1x256xf32, #tpu.memory_space<vmem>>, vector<1x256xf32>
    %add3A_29 = vector.broadcast %get3A_28 : vector<1x256xf32> to vector<512x256xf32>
    %add3A_30 = arith.addf %dot_general3A_25, %add3A_29 : vector<512x256xf32>
    %max3A = arith.constant 0.000000e+00 : f32
    %max3A_31 = vector.broadcast %max3A : f32 to vector<512x256xf32>
    %max3A_32 = arith.maximumf %add3A_30, %max3A_31 : vector<512x256xf32>
    %get3A_33 = arith.constant 0 : index
    %get3A_34 = arith.constant 0 : index
    %get3A_35 = vector.load %arg8[%get3A_33, %get3A_34] : memref<256x64xf32, #tpu.memory_space<vmem>>, vector<256x64xf32>
    %dot_general3A_36 = arith.constant dense<0.000000e+00> : vector<512x64xf32>
    %dot_general3A_37 = tpu.matmul %max3A_32, %get3A_35, %dot_general3A_36 {dimension_numbers = #tpu.dot_dimension_numbers<[1], [0], [0], [1], [0, 0, 1, 1], [], []>, transpose_lhs_hint = false} : vector<512x256xf32>, vector<256x64xf32>, vector<512x64xf32> -> vector<512x64xf32>
    %get3A_38 = arith.constant 0 : index
    %get3A_39 = arith.constant 0 : index
    %get3A_40 = vector.load %arg9[%get3A_38, %get3A_39] : memref<1x64xf32, #tpu.memory_space<vmem>>, vector<1x64xf32>
    %add3A_41 = vector.broadcast %get3A_40 : vector<1x64xf32> to vector<512x64xf32>
    %add3A_42 = arith.addf %dot_general3A_37, %add3A_41 : vector<512x64xf32>
    %swap3A = arith.constant 0 : index
    %swap3A_43 = arith.constant 0 : index
    %swap3A_44 = vector.load %arg10[%swap3A, %swap3A_43] : memref<512x64xf32, #tpu.memory_space<vmem>>, vector<512x64xf32>
    tpu.vector_store %arg10[%swap3A, %swap3A_43], %add3A_42 {strides = array<i32>} : memref<512x64xf32, #tpu.memory_space<vmem>>, vector<512x64xf32>,
    return
  }
  func.func @transform_0(%arg0: i32) -> (i32, i32) {
    %c0_i32 = arith.constant 0 : i32
    %c0_i32_0 = arith.constant 0 : i32
    return %arg0, %c0_i32 : i32, i32
  }
  func.func @transform_1(%arg0: i32) -> (i32, i32) {
    %c0_i32 = arith.constant 0 : i32
    %c0_i32_0 = arith.constant 0 : i32
    return %arg0, %c0_i32 : i32, i32
  }
  func.func @transform_2(%arg0: i32) -> (i32, i32) {
    %c0_i32 = arith.constant 0 : i32
    %c0_i32_0 = arith.constant 0 : i32
    return %arg0, %c0_i32 : i32, i32
  }
  func.func @transform_3(%arg0: i32) -> (i32, i32) {
    %c0_i32 = arith.constant 0 : i32
    %c0_i32_0 = arith.constant 0 : i32
    %c0_i32_1 = arith.constant 0 : i32
    return %c0_i32, %c0_i32_0 : i32, i32
  }
  func.func @transform_4(%arg0: i32) -> (i32, i32) {
    %c0_i32 = arith.constant 0 : i32
    %c0_i32_0 = arith.constant 0 : i32
    %c0_i32_1 = arith.constant 0 : i32
    return %c0_i32, %c0_i32_0 : i32, i32
  }
  func.func @transform_5(%arg0: i32) -> (i32, i32) {
    %c0_i32 = arith.constant 0 : i32
    %c0_i32_0 = arith.constant 0 : i32
    %c0_i32_1 = arith.constant 0 : i32
    return %c0_i32, %c0_i32_0 : i32, i32
  }
  func.func @transform_6(%arg0: i32) -> (i32, i32) {
    %c0_i32 = arith.constant 0 : i32
    %c0_i32_0 = arith.constant 0 : i32
    %c0_i32_1 = arith.constant 0 : i32
    return %c0_i32, %c0_i32_0 : i32, i32
  }
  func.func @transform_7(%arg0: i32) -> (i32, i32) {
    %c0_i32 = arith.constant 0 : i32
    %c0_i32_0 = arith.constant 0 : i32
    %c0_i32_1 = arith.constant 0 : i32
    return %c0_i32, %c0_i32_0 : i32, i32
  }
  func.func @transform_8(%arg0: i32) -> (i32, i32) {
    %c0_i32 = arith.constant 0 : i32
    %c0_i32_0 = arith.constant 0 : i32
    %c0_i32_1 = arith.constant 0 : i32
    return %c0_i32, %c0_i32_0 : i32, i32
  }
  func.func @transform_9(%arg0: i32) -> (i32, i32) {
    %c0_i32 = arith.constant 0 : i32
    %c0_i32_0 = arith.constant 0 : i32
    return %arg0, %c0_i32 : i32, i32
  }
}

</mosaic_0001>

<sc_bundles>
// kernel: kernel.4.cloned.1.call-start
scs
__scs_entry_jumppad:
0x0: {  	(pc) =	sbr.rel $0x88, $3  }
0x1: {  	(tag) =	ssettag $0x0;
	lr =	simm.s32 $0x1  }
0x2: {  	[smem:$0x3F99] =	sst lr;
	_ =	strace $0xD0000000  }
0x3: {  	_ = 	snop  }
0x4: {  	_ = 	snop  }
0x5: {  	_ = 	snop  }
0x6: {  	_ = 	snop  }
0x7: {  	_ = 	snop  }
__scs_overlays_trampoline_lowered:
0x8: {  	[smem:$0x3FA8] =	sst s0  }
0x9: {  	[smem:$0x3FA9] =	sst s1  }
0xa: {  	[smem:$0x3FAA] =	sst s2  }
0xb: {  	[smem:$0x3FAB] =	sst s3  }
0xc: {  	[smem:$0x3FAC] =	sst s4  }
0xd: {  	[smem:$0x3FAD] =	sst s5  }
0xe: {  	[smem:$0x3FAE] =	sst s6  }
0xf: {  	[smem:$0x3FAF] =	sst s7  }
0x10: {  	[smem:$0x3FB0] =	sst s8  }
0x11: {  	[smem:$0x3FB1] =	sst s9;
	s0 =	simm.s32 @!p0 $0x0  }
0x12: {  	s1 =	sld [smem:$0x3F97];
	s0 =	simm.s32 @p0 $0x1  }
0x13: {  	[smem:$0x3FB2] =	sst s0;
	s0 =	simm.s32 @!p1 $0x0  }
0x14: {  	s2 =	sld [smem:$0x3F96];
	s0 =	simm.s32 @p1 $0x1  }
0x15: {  	[smem:$0x3FB3] =	sst s0;
	s0 =	simm.s32 @!p2 $0x0  }
0x16: {  	s3 =	sld [smem:$0x3FDB];
	s0 =	simm.s32 @p2 $0x1  }
0x17: {  	s4 =	simm.s32 $0x1BF5;
	[smem:$0x3FB5] =	sst s0  }
0x18: {  	s0 =	sld [smem:$0x3F98];
	_ =	swait.ge [sflag:s4], $0x0  }
0x19: {  	s7 =	sld [smem:$0x3F99]  }
0x1a: {  	s8 =	sadd.s32 $0xFFFFE003, lr  }
0x1b: {  	s9 =	sadd.s32 $0xFFFFFEF7, lr;
	s5 =	simm.s32 $0xFFFFFFFF;
	p2 =	slt.u32 s8, $0xFFFFF086  }
0x1c: {  	p1 =	slt.u32 s9, $0xF7A;
	s5 =	simm.s32 @!p2 $0x0  }
0x1d: {  	s5 =	simm.s32 @p1 $0x1;
	p0 =	seq.s32 s7, s2  }
0x1e: {  	s7 =	smul.u32 @!p0 $0xF7A, s2;
	p2 =	seq.s32 @!p0 s5, $0x0  }
0x1f: {  	s9 =	smul.u32 $0xF7A, s1;
	s8 =	simm.s32 @!p0 $0x1BF5;
	p2 =	por !p2, p0  }
0x20: {  	[sflag:s8] =	ssyncset.s32 @!p0 $0xFFFFF086;
	s6 =	sadd.s32 @!p0 s3, s7;
	s7 =	simm.s32 @!p0 $0x108  }
0x21: {  	s3 =	sadd.s32 s3, s9;
	s6 =	sadd.s32 @!p0 $0x88, s6;
	s7 =	simm.s32 @p2 $0x1082  }
0x22: {  	[simem:s7], [sflag:s8] =	dma.local @!p0 [hbm:s6], $0xF7A  }
0x23: {  	s9 =	sor.u32 $0xD0000000, s2;
	s6 =	simm.s32 $0x108;
	_ =	swait.ge @!p0 [sflag:s8], $0x0  }
0x24: {  	s3 =	sadd.s32 $0x88, s3;
	s6 =	simm.s32 @!p1 $0x1082;
	[sflag:s4] =	ssyncset.s32 $0xFFFFF086  }
0x25: {  	[simem:s6], [sflag:s4] =	dma.local [hbm:s3], $0xF7A  }
0x26: {  	[smem:$0x3F99] =	sst s1;
	(tag) =	ssettag s2;
	_ =	strace s9  }
0x27: {  	s1 =	sld [smem:$0x3FA9]  }
0x28: {  	s2 =	sld [smem:$0x3FAA]  }
0x29: {  	s4 =	sld [smem:$0x3FAC]  }
0x2a: {  	p0 =	seq.s32 s5, $0x0;
	s5 =	sld [smem:$0x3FAD]  }
0x2b: {  	s6 =	sld [smem:$0x3FAE]  }
0x2c: {  	s7 =	sld [smem:$0x3FAF]  }
0x2d: {  	s3 =	simm.s32 $0x108;
	s8 =	sld [smem:$0x3FB0]  }
0x2e: {  	s3 =	simm.s32 @!p0 $0x1082;
	s9 =	sld [smem:$0x3FB1]  }
0x2f: {  	lr =	sadd.s32 s0, s3;
	s0 =	sld [smem:$0x3FA8]  }
0x30: {  	s3 =	sld [smem:$0x3FAB]  }
0x31: {  	[smem:$0x3FB4] =	sst s10  }
0x32: {  	s10 =	sld [smem:$0x3FB2];
	_ =	sdelay $0x3  }
0x33: {  	p0 =	seq.s32 s10, $0x1;
	s10 =	sld [smem:$0x3FB4];
	_ =	sdelay $0x3  }
0x34: {  	[smem:$0x3FB4] =	sst s10  }
0x35: {  	s10 =	sld [smem:$0x3FB3];
	_ =	sdelay $0x3  }
0x36: {  	p1 =	seq.s32 s10, $0x1;
	s10 =	sld [smem:$0x3FB4];
	_ =	sdelay $0x3  }
0x37: {  	[smem:$0x3FB4] =	sst s10  }
0x38: {  	s10 =	sld [smem:$0x3FB5]  }
0x39: {  	_ = 	snop;
	(pc) =	sbr.ind lr, $3  }
0x3a: {  	_ = 	snop  }
0x3b: {  	_ = 	snop  }
0x3c: {  	p2 =	seq.s32 s10, $0x1;
	s10 =	sld [smem:$0x3FB4]  }
0x3d: {  	_ =	shalt  }
0x3e: {  	_ =	shalt  }
0x3f: {  	_ =	shalt  }
0x40: {  	_ =	shalt  }
0x41: {  	_ =	shalt  }
0x42: {  	_ =	shalt  }
0x43: {  	_ =	shalt  }
0x44: {  	_ =	shalt  }
0x45: {  	_ =	shalt  }
0x46: {  	_ =	shalt  }
0x47: {  	_ =	shalt  }
0x48: {  	_ =	shalt  }
0x49: {  	_ =	shalt  }
0x4a: {  	_ =	shalt  }
0x4b: {  	_ =	shalt  }
0x4c: {  	_ =	shalt  }
0x4d: {  	_ =	shalt  }
0x4e: {  	_ =	shalt  }
0x4f: {  	_ =	shalt  }
0x50: {  	_ =	shalt  }
0x51: {  	_ =	shalt  }
0x52: {  	_ =	shalt  }
0x53: {  	_ =	shalt  }
0x54: {  	_ =	shalt  }
0x55: {  	_ =	shalt  }
0x56: {  	_ =	shalt  }
0x57: {  	_ =	shalt  }
0x58: {  	_ =	shalt  }
0x59: {  	_ =	shalt  }
0x5a: {  	_ =	shalt  }
0x5b: {  	_ =	shalt  }
0x5c: {  	_ =	shalt  }
0x5d: {  	_ =	shalt  }
0x5e: {  	_ =	shalt  }
0x5f: {  	_ =	shalt  }
0x60: {  	_ =	shalt  }
0x61: {  	_ =	shalt  }
0x62: {  	_ =	shalt  }
0x63: {  	_ =	shalt  }
0x64: {  	_ =	shalt  }
0x65: {  	_ =	shalt  }
0x66: {  	_ =	shalt  }
0x67: {  	_ =	shalt  }
0x68: {  	_ =	shalt  }
0x69: {  	_ =	shalt  }
0x6a: {  	_ =	shalt  }
0x6b: {  	_ =	shalt  }
0x6c: {  	_ =	shalt  }
0x6d: {  	_ =	shalt  }
0x6e: {  	_ =	shalt  }
0x6f: {  	_ =	shalt  }
0x70: {  	_ =	shalt  }
0x71: {  	_ =	shalt  }
0x72: {  	_ =	shalt  }
0x73: {  	_ =	shalt  }
0x74: {  	_ =	shalt  }
0x75: {  	_ =	shalt  }
0x76: {  	_ =	shalt  }
0x77: {  	_ =	shalt  }
0x78: {  	_ =	shalt  }
0x79: {  	_ =	shalt  }
0x7a: {  	_ =	shalt  }
0x7b: {  	_ =	shalt  }
0x7c: {  	_ =	shalt  }
0x7d: {  	_ =	shalt  }
0x7e: {  	_ =	shalt  }
0x7f: {  	_ =	shalt  }
0x80: {  	_ =	shalt  }
0x81: {  	_ =	shalt  }
0x82: {  	_ =	shalt  }
0x83: {  	_ =	shalt  }
0x84: {  	_ =	shalt  }
0x85: {  	_ =	shalt  }
0x86: {  	_ =	shalt  }
0x87: {  	_ =	shalt  }
.Lfunc_end0:
.L_simem_size_0:
called_computation_lowered:
.L_overlay_start_0:
0x88: {  	s2 =	sld [smem:$0x3FD9]  }
0x89: {  	s3 =	sld [smem:$0x3FFE];
	_ =	sdelay $0x1  }
0x8a: {  	s1 =	srdreg.scid  }
0x8b: {  	s0 =	sand.u32 $0x1, s1  }
0x8c: {  	s17 =	sshll.u32 s0, $0xA;
	s2 =	sadd.s32 s3, s2  }
0x8d: {  	s2 =	sadd.s32 s2, s17  }
0x8e: {  	[smem:$0x3FC0] =	sst s2  }
0x8f: {  	_ = 	snop  }
0x90: {  	s2 =	sld [smem:$0x3FD0];
	(tm) =	ssettm $0x1  }
0x91: {  	s18 =	sld [smem:$0x3FFB];
	_ =	sdelay $0x3  }
0x92: {  	_ =	strace s18  }
0x93: {  	s3 =	sld [smem:$0x3FFC];
	_ =	sdelay $0x3  }
0x94: {  	_ =	strace s3  }
0x95: {  	s3 =	sld [smem:$0x3FFD];
	_ =	sdelay $0x3  }
0x96: {  	_ =	strace s3  }
0x97: {  	_ =	strace $0x8FFFFFFF  }
0x98: {  	s19 =	sld [smem:$0x3FDB];
	_ =	sdelay $0x1  }
0x99: {  	s4 =	simm.s32 $_scs_section_size  }
0x9a: {  	s5 =	simm.s32 $_size__tile_overlayer_lowered;
	s6 =	simm.s32 $_tile_overlayer_lowered  }
0x9b: {  	s22 =	simm.s32 $0x1BFF;
	s21 =	sshll.u32 s6, $0x1;
	s3 =	sadd.s32 s4, s19  }
0x9c: {  	s7 =	simm.s32 $0x0;
	s20 =	sshll.u32 s5, $0x1;
	s5 =	sadd.s32 s21, s3  }
0x9d: {  	[timem:s7], [sflag:s22] =	dma.local [hbm:s5], s20  }
0x9e: {  	_ =	swait.ge [sflag:s22], s20  }
0x9f: {  	s4 =	ssub.s32 $0x0, s20;
	[sflag:s22] =	ssyncset.done $0x0  }
0xa0: {  	[sflag:s22] =	ssyncadd.s32 s4;
	_ =	sdelay $0x1  }
0xa1: {  	s23 =	simm.s32 $0x1B8B  }
0xa2: {  	_ =	swait.ge [sflag:s23], $0x1  }
0xa3: {  	[sflag:s23] =	ssyncset.done $0x0  }
0xa4: {  	s25 =	simm.s32 $0x1B8E;
	s24 =	sld [smem:$0x3FFE];
	[sflag:s23] =	ssyncadd.s32 $0xFFFFFFFF  }
0xa5: {  	s26 =	simm.s32 $execute0_lowered;
	[smem:$0x3FD2] =	sst s25  }
0xa6: {  	s5 =	sshll.u32 s26, $0x1;
	_ =	strace $0x80000046;
	[dreg:$0x1] =	wrdreg $0xFFFFFFFF  }
0xa7: {  	s28 =	simm.s32 $_size_execute0_lowered;
	s3 =	sadd.s32 s3, s5;
	[dreg:$0x0] =	wrdreg $0x0  }
0xa8: {  	s5 =	sshll.u32 s28, $0x1;
	[dreg:$0x2] =	wrdreg s3  }
0xa9: {  	[dreg:$0x3] =	wrdreg s5  }
0xaa: {  	[dreg:$0x4] =	wrdreg $0xC0  }
0xab: {  	_ =	task [dreg:s7], $0x5FFFF  }
0xac: {  	[dreg:$0x1] =	wrdreg $0xFFFFFFFF  }
0xad: {  	[dreg:$0x0] =	wrdreg $0x60  }
0xae: {  	[dreg:$0x2] =	wrdreg s24  }
0xaf: {  	[dreg:$0x3] =	wrdreg s2  }
0xb0: {  	[dreg:$0x4] =	wrdreg $0x9  }
0xb1: {  	_ =	task.clear_ibuf [dreg:s7], $0x5FFFF;
	_ =	strace $0x90000046  }
0xb2: {  	s29 =	simm.s32 $0x9;
	_ =	strace $0x80000048  }
0xb3: {  	_ =	swait.ge [sflag:s29], $0x1  }
0xb4: {  	[sflag:s29] =	ssyncadd.s32 $0xFFFFFFFF  }
0xb5: {  	_ =	strace $0x90000048  }
0xb6: {  	_ =	sfence  }
0xb7: {  	s30 =	sld [smem:$0x0];
	_ =	sdelay $0x2  }
0xb8: {  	s31 =	sshll.u32 s1, $0xD;
	s1 =	sshrl.u32 s1, $0x2  }
0xb9: {  	s3 =	sand.u32 $0x4000, s31;
	s1 =	sadd.s32 s1, s30  }
0xba: {  	s0 =	sor.u32 s3, s0;
	s1 =	sshll.u32 s1, $0x11  }
0xbb: {  	s0 =	sor.u32 s1, s0  }
0xbc: {  	s0 =	sadd.s32 $0x8F2B, s0  }
0xbd: {  	[sflag:s0] =	ssyncadd.remote.s32 $0x1  }
0xbe: {  	_ =	sfence.sel $0xFFFF  }
0xbf: {  	[dreg:$0x0] =	wrdreg $0xFFFFFFFF;
	(pc) =	sbr.abs _section_cstart, $3  }
0xc0: {  	[dreg:$0x1] =	wrdreg $0xFFFFFFFF  }
0xc1: {  	_ =	task.clear_ibuf [dreg:s7], $0x2FFFF;
	_ =	strace $0x9FFFFFFF  }
0xc2: {  	(tm) =	ssettm $0x7FFFFFFF  }
0xc3: {  	_ =	shalt  }
tec
execute0_lowered:
.L_overlay_start_1:
0x0: {  	(tag) =	ssettag $0x1  }
0x1: {  	s1 =	srdreg.scid;
	s4 =	rddreg [dreg:$0x0]  }
0x2: {  	s0 =	stileid.u32;
	s5 =	rddreg [dreg:$0x1]  }
0x3: {  	s9 =	simm.s32 $0x6800;
	s10 =	simm.s32 $0x9C00;
	s11 =	simm.s32 $0x1A0  }
0x4: {  	s12 =	simm.s32 $0xD000;
	s13 =	simm.s32 $0x270;
	s14 =	simm.s32 $0x10400  }
0x5: {  	s15 =	simm.s32 $0x1;
	s16 =	simm.s32 $0x2;
	s17 =	simm.s32 $0x3  }
0x6: {  	s18 =	simm.s32 $0x4;
	s19 =	simm.s32 $0x13800;
	s20 =	simm.s32 $0x0  }
0x7: {  	s3 =	sand.u32 $0x1, s1;
	s30 =	sshll.u32 s0, $0x8;
	s1 =	rddreg [dreg:$0x2]  }
0x8: {  	s2 =	sshll.u32 s3, $0x7;
	s8 =	ssub.s32 $0x2, s3;
	s3 =	sadd.s32 $0xF7DA00, s4  }
.Ltmp0:
0x9: {  	s6 =	sor.u32 s2, s30;
	s2 =	simm.s32 $0x0;
	(pc) =	sbr.rel .LBB2_1-.Ltmp0, $4  }
0xa: {  	s31 =	sshrl.u32 s8, $0x1;
	s7 =	smul.u32 $0x1A, s6;
	[smem:$0x7FF] =	sst s2  }
0xb: {  	s6 =	sshll.u32 s6, $0x3;
	s8 =	ssub.s32 s8, s31;
	_ =	strace $0x80000047  }
0xc: {  	s5 =	sadd.s32 s5, s6;
	s6 =	smax.u32 s8, $0x1;
	s7 =	sadd.s32 s7, s4  }
0xd: {  	s8 =	simm.s32 $0xD0;
	s4 =	sadd.s32 $0xF63A00, s7;
	s7 =	simm.s32 $0x5  }
.LBB2_12:
0xe: {  	s20 =	sadd.s32 $0x1, s20  }
0xf: {  	p0 =	sne.s32 s20, s6  }
.Ltmp1:
0x10: {  	_ = 	snop;
	(pc) =	sbr.rel @!p0 .LBB2_13-.Ltmp1, $4  }
0x11: {  	[hbm4b:s5+s2] =	stream.linear.scatter [tilespmem:s19], [sflag:$0x5], $0x2000, $0x38;
	[tilespmem:$0x15800] =	vst v63  }
0x12: {  	_ =	swait.ge [sflag:s7], $0x2000  }
0x13: {  	[sflag:s7] =	ssyncset.done $0x0  }
0x14: {  	[sflag:s7] =	ssyncadd.s32 $0xFFFFE000  }
.LBB2_1:
0x15: {  	[tilespmem:s2], [sflag:$0x5] =	stream.linear.gather [hbm4b:s4+s2], $0x6800, $0x38;
	[tilespmem:$0x15800] =	vst v63  }
0x16: {  	_ =	swait.ge [sflag:s7], $0x6800  }
0x17: {  	[sflag:s7] =	ssyncset.done $0x0  }
0x18: {  	[sflag:s7] =	ssyncadd.s32 $0xFFFF9800  }
0x19: {  	[tilespmem:s9], [sflag:$0x1] =	stream.indirect.gather [hbm4b:s3+s8], $0x40, s2, s8, $0xb8;
	[tilespmem:$0x15800] =	vst v63  }
0x1a: {  	_ = 	snop  }
0x1b: {  	[tilespmem:s10], [sflag:$0x2] =	stream.indirect.gather [hbm4b:s3+s8], $0x40, s8, s8, $0xb8;
	[tilespmem:$0x15800] =	vst v63  }
0x1c: {  	_ = 	snop  }
0x1d: {  	[tilespmem:s12], [sflag:$0x3] =	stream.indirect.gather [hbm4b:s3+s8], $0x40, s11, s8, $0xb8;
	[tilespmem:$0x15800] =	vst v63  }
0x1e: {  	s21 =	simm.s32 $0x0  }
0x1f: {  	[tilespmem:s14], [sflag:$0x4] =	stream.indirect.gather [hbm4b:s3+s8], $0x40, s13, s8, $0xb8;
	[tilespmem:$0x15800] =	vst v63  }
.LBB2_2:
0x20: {  	_ =	swait.ge [sflag:s15], $0x3400  }
0x21: {  	[sflag:s15] =	ssyncset.done $0x0  }
0x22: {  	s23 =	simm.s32 $0x6900;
	[sflag:s15] =	ssyncadd.s32 $0xFFFFCC00  }
0x23: {  	v0 =	vld [tilespmem:s23+$0xC0]  }
0x24: {  	v1 =	vld [tilespmem:s23+$0xD0]  }
0x25: {  	v2 =	vld [tilespmem:s23+$0x80]  }
0x26: {  	v3 =	vld [tilespmem:s23+$0x90]  }
0x27: {  	v9 =	vld [tilespmem:s23+$0x40]  }
0x28: {  	v12 =	vld [tilespmem:s23+$0x50]  }
0x29: {  	v5 =	vld [tilespmem:s23+$0x0]  }
0x2a: {  	v8 =	vld [tilespmem:s23+$0x10]  }
0x2b: {  	v6 =	vld [tilespmem:s23+$0xFFFFFFC0]  }
0x2c: {  	v7 =	vld [tilespmem:s23+$0xFFFFFFD0]  }
0x2d: {  	v4 =	vld [tilespmem:s23+$0xFFFFFF80]  }
0x2e: {  	v10 =	vld [tilespmem:s23+$0xFFFFFF90]  }
0x2f: {  	v11 =	vld [tilespmem:s23+$0xFFFFFF40]  }
0x30: {  	v13 =	vld [tilespmem:s23+$0xFFFFFF50]  }
0x31: {  	v14 =	vld [tilespmem:s23+$0xFFFFFF00]  }
0x32: {  	v15 =	vld [tilespmem:s23+$0xFFFFFF10]  }
0x33: {  	v16 =	vld [tilespmem:s23+$0xFFFFFF20]  }
0x34: {  	v17 =	vld [tilespmem:s23+$0xFFFFFF30]  }
0x35: {  	v18 =	vld [tilespmem:s23+$0xFFFFFF60]  }
0x36: {  	v19 =	vld [tilespmem:s23+$0xFFFFFF70]  }
0x37: {  	v20 =	vimm.f32 $0.0e+00;
	v21 =	vld [tilespmem:s23+$0xFFFFFFA0]  }
0x38: {  	v22 =	vld [tilespmem:s23+$0xFFFFFFB0];
	v14 =	vadd.f32 v14, v20;
	v15 =	vadd.f32 v15, v20  }
0x39: {  	v59 =	vld [tilespmem:s23+$0xFFFFFFE0];
	v16 =	vadd.f32 v16, v20;
	v17 =	vadd.f32 v17, v20  }
0x3a: {  	v11 =	vadd.f32 v11, v14;
	v13 =	vadd.f32 v13, v15;
	v14 =	vld [tilespmem:s23+$0xFFFFFFF0]  }
0x3b: {  	v61 =	vld [tilespmem:s23+$0x20];
	v15 =	vadd.f32 v18, v16;
	v60 =	vadd.f32 v19, v17  }
0x3c: {  	v11 =	vadd.f32 v4, v11;
	v10 =	vadd.f32 v10, v13;
	v13 =	vld [tilespmem:s23+$0x30]  }
0x3d: {  	v15 =	vadd.f32 v21, v15;
	v16 =	vadd.f32 v22, v60;
	v4 =	vld [tilespmem:s23+$0x60]  }
0x3e: {  	v11 =	vadd.f32 v6, v11;
	v10 =	vadd.f32 v7, v10;
	v7 =	vld [tilespmem:s23+$0x70]  }
0x3f: {  	v15 =	vadd.f32 v59, v15;
	v6 =	vld [tilespmem:s23+$0xA0];
	v14 =	vadd.f32 v14, v16  }
0x40: {  	v62 =	vadd.f32 v5, v11;
	v63 =	vadd.f32 v8, v10;
	v8 =	vld [tilespmem:s23+$0xB0]  }
0x41: {  	v11 =	vadd.f32 v61, v15;
	v5 =	vld [tilespmem:s23+$0xE0];
	v10 =	vadd.f32 v13, v14  }
0x42: {  	s22 =	simm.s32 $0x0;
	v13 =	vadd.f32 v9, v62;
	v12 =	vadd.f32 v12, v63;
	v9 =	vld [tilespmem:s23+$0xF0];
	s23 =	simm.s32 $0x6B00  }
.LBB2_3:
0x43: {  	v14 =	vld [tilespmem:s23+$0xC0];
	v4 =	vadd.f32 v4, v11;
	v7 =	vadd.f32 v7, v10  }
0x44: {  	v10 =	vld [tilespmem:s23+$0xD0];
	v11 =	vadd.f32 v2, v13;
	v12 =	vadd.f32 v3, v12  }
0x45: {  	v2 =	vld [tilespmem:s23+$0x80];
	v4 =	vadd.f32 v6, v4;
	v6 =	vadd.f32 v8, v7  }
0x46: {  	v3 =	vld [tilespmem:s23+$0x90];
	v7 =	vadd.f32 v0, v11;
	v8 =	vadd.f32 v1, v12  }
0x47: {  	v12 =	vld [tilespmem:s23+$0x40];
	v4 =	vadd.f32 v5, v4;
	v5 =	vadd.f32 v9, v6  }
0x48: {  	v9 =	vld [tilespmem:s23+$0x50];
	v0 =	vmov v14  }
0x49: {  	v11 =	vld [tilespmem:s23+$0x0];
	v1 =	vmov v10  }
0x4a: {  	v10 =	vld [tilespmem:s23+$0x10]  }
0x4b: {  	v6 =	vld [tilespmem:s23+$0xFFFFFFC0]  }
0x4c: {  	v13 =	vld [tilespmem:s23+$0xFFFFFFD0]  }
0x4d: {  	v14 =	vld [tilespmem:s23+$0xFFFFFF80]  }
0x4e: {  	v15 =	vld [tilespmem:s23+$0xFFFFFF90]  }
0x4f: {  	v16 =	vld [tilespmem:s23+$0xFFFFFF40]  }
0x50: {  	v17 =	vld [tilespmem:s23+$0xFFFFFF50]  }
0x51: {  	v18 =	vld [tilespmem:s23+$0xFFFFFF00]  }
0x52: {  	v19 =	vld [tilespmem:s23+$0xFFFFFF10]  }
0x53: {  	v20 =	vld [tilespmem:s23+$0xFFFFFF20]  }
0x54: {  	s22 =	sadd.s32 $0x8, s22;
	v21 =	vld [tilespmem:s23+$0xFFFFFF30]  }
0x55: {  	p0 =	slt.u32 s22, $0xC8;
	v22 =	vld [tilespmem:s23+$0xFFFFFF60]  }
0x56: {  	v23 =	vld [tilespmem:s23+$0xFFFFFF70]  }
0x57: {  	v24 =	vld [tilespmem:s23+$0xFFFFFFA0]  }
0x58: {  	v7 =	vadd.f32 v18, v7;
	v8 =	vadd.f32 v19, v8;
	v18 =	vld [tilespmem:s23+$0xFFFFFFB0]  }
0x59: {  	v4 =	vadd.f32 v20, v4;
	v5 =	vadd.f32 v21, v5;
	v19 =	vld [tilespmem:s23+$0xFFFFFFE0]  }
0x5a: {  	v7 =	vadd.f32 v16, v7;
	v8 =	vadd.f32 v17, v8;
	v16 =	vld [tilespmem:s23+$0xFFFFFFF0]  }
0x5b: {  	v4 =	vadd.f32 v22, v4;
	v5 =	vadd.f32 v23, v5;
	v17 =	vld [tilespmem:s23+$0x20]  }
0x5c: {  	v7 =	vadd.f32 v14, v7;
	v8 =	vadd.f32 v15, v8;
	v14 =	vld [tilespmem:s23+$0x30]  }
0x5d: {  	v15 =	vadd.f32 v24, v4;
	v5 =	vadd.f32 v18, v5;
	v4 =	vld [tilespmem:s23+$0x60]  }
.Ltmp2:
0x5e: {  	v18 =	vadd.f32 v6, v7;
	v8 =	vadd.f32 v13, v8;
	v7 =	vld [tilespmem:s23+$0x70];
	(pc) =	sbr.rel @p0 .LBB2_3-.Ltmp2, $4  }
0x5f: {  	v13 =	vadd.f32 v19, v15;
	v5 =	vadd.f32 v16, v5;
	v6 =	vld [tilespmem:s23+$0xA0]  }
0x60: {  	v15 =	vadd.f32 v11, v18;
	v16 =	vadd.f32 v10, v8;
	v8 =	vld [tilespmem:s23+$0xB0]  }
0x61: {  	v11 =	vadd.f32 v17, v13;
	v10 =	vadd.f32 v14, v5;
	v5 =	vld [tilespmem:s23+$0xE0]  }
0x62: {  	v13 =	vadd.f32 v12, v15;
	v12 =	vadd.f32 v9, v16;
	v9 =	vld [tilespmem:s23+$0xF0];
	s23 =	sadd.s32 $0x200, s23  }
0x63: {  	_ = 	snop  }
0x64: {  	v4 =	vadd.f32 v4, v11;
	v2 =	vadd.f32 v2, v13  }
0x65: {  	v7 =	vadd.f32 v7, v10;
	v3 =	vadd.f32 v3, v12  }
0x66: {  	s22 =	sshll.u32 s21, $0x8;
	v4 =	vadd.f32 v6, v4;
	v0 =	vadd.f32 v0, v2  }
0x67: {  	p0 =	seq.s32 s21, $0x1F;
	s22 =	sand.u32 $0x3FFFFF00, s22;
	v2 =	vadd.f32 v8, v7;
	v1 =	vadd.f32 v1, v3  }
0x68: {  	s23 =	smul.u32 @!p0 $0xD00, s21;
	v3 =	vadd.f32 v5, v4;
	[tilespmem:s22+$0x13800] =	vst v0  }
0x69: {  	v0 =	vadd.f32 v9, v2;
	[tilespmem:s22+$0x13810] =	vst v1  }
0x6a: {  	s23 =	sshra.s32 @!p0 s23, $0x2;
	[tilespmem:s22+$0x13820] =	vst v3  }
0x6b: {  	s25 =	simm.s32 @!p0 $0xD0;
	s26 =	simm.s32 @!p0 $0x6800;
	s24 =	sadd.s32 @!p0 $0x340, s23;
	[tilespmem:s22+$0x13830] =	vst v0  }
0x6c: {  	[tilespmem:s26], [sflag:$0x1] =	stream.indirect.gather @!p0 [hbm4b:s3+s25], $0x40, s24, s25, $0xb8;
	[tilespmem:$0x15800] =	vst v63  }
0x6d: {  	_ =	swait.ge [sflag:s16], $0x3400  }
0x6e: {  	[sflag:s16] =	ssyncset.done $0x0  }
0x6f: {  	s31 =	simm.s32 $0x9DF0;
	[sflag:s16] =	ssyncadd.s32 $0xFFFFCC00  }
0x70: {  	v0 =	vld [tilespmem:s31+$0xFFFFFFD0]  }
0x71: {  	v1 =	vld [tilespmem:s31+$0xFFFFFFE0]  }
0x72: {  	v2 =	vld [tilespmem:s31+$0xFFFFFF90]  }
0x73: {  	v3 =	vld [tilespmem:s31+$0xFFFFFFA0]  }
0x74: {  	v9 =	vld [tilespmem:s31+$0xFFFFFF50]  }
0x75: {  	v12 =	vld [tilespmem:s31+$0xFFFFFF60]  }
0x76: {  	v7 =	vld [tilespmem:s31+$0xFFFFFF10]  }
0x77: {  	v8 =	vld [tilespmem:s31+$0xFFFFFF20]  }
0x78: {  	v5 =	vld [tilespmem:s31+$0xFFFFFED0]  }
0x79: {  	v6 =	vld [tilespmem:s31+$0xFFFFFEE0]  }
0x7a: {  	v4 =	vld [tilespmem:s31+$0xFFFFFE90]  }
0x7b: {  	v10 =	vld [tilespmem:s31+$0xFFFFFEA0]  }
0x7c: {  	v11 =	vld [tilespmem:s31+$0xFFFFFE50]  }
0x7d: {  	v13 =	vld [tilespmem:s31+$0xFFFFFE60]  }
0x7e: {  	v14 =	vld [tilespmem:s31+$0xFFFFFE10]  }
0x7f: {  	v15 =	vld [tilespmem:s31+$0xFFFFFE20]  }
0x80: {  	v16 =	vld [tilespmem:s31+$0xFFFFFE30]  }
0x81: {  	v17 =	vld [tilespmem:s31+$0xFFFFFE40]  }
0x82: {  	v18 =	vld [tilespmem:s31+$0xFFFFFE70]  }
0x83: {  	v19 =	vld [tilespmem:s31+$0xFFFFFE80]  }
0x84: {  	v20 =	vimm.f32 $0.0e+00;
	v21 =	vld [tilespmem:s31+$0xFFFFFEB0]  }
0x85: {  	v22 =	vld [tilespmem:s31+$0xFFFFFEC0];
	v14 =	vadd.f32 v14, v20;
	v15 =	vadd.f32 v15, v20  }
0x86: {  	v59 =	vld [tilespmem:s31+$0xFFFFFEF0];
	v16 =	vadd.f32 v16, v20;
	v17 =	vadd.f32 v17, v20  }
0x87: {  	v11 =	vadd.f32 v11, v14;
	v13 =	vadd.f32 v13, v15;
	v14 =	vld [tilespmem:s31+$0xFFFFFF00]  }
0x88: {  	v61 =	vld [tilespmem:s31+$0xFFFFFF30];
	v15 =	vadd.f32 v18, v16;
	v60 =	vadd.f32 v19, v17  }
0x89: {  	v11 =	vadd.f32 v4, v11;
	v10 =	vadd.f32 v10, v13;
	v13 =	vld [tilespmem:s31+$0xFFFFFF40]  }
0x8a: {  	v15 =	vadd.f32 v21, v15;
	v16 =	vadd.f32 v22, v60;
	v4 =	vld [tilespmem:s31+$0xFFFFFF70]  }
0x8b: {  	v11 =	vadd.f32 v5, v11;
	v10 =	vadd.f32 v6, v10;
	v6 =	vld [tilespmem:s31+$0xFFFFFF80]  }
0x8c: {  	v15 =	vadd.f32 v59, v15;
	v5 =	vld [tilespmem:s31+$0xFFFFFFB0];
	v14 =	vadd.f32 v14, v16  }
0x8d: {  	v62 =	vadd.f32 v7, v11;
	v63 =	vadd.f32 v8, v10;
	v8 =	vld [tilespmem:s31+$0xFFFFFFC0]  }
0x8e: {  	v11 =	vadd.f32 v61, v15;
	v7 =	vld [tilespmem:s31+$0xFFFFFFF0];
	v10 =	vadd.f32 v13, v14  }
0x8f: {  	s24 =	simm.s32 $0x0;
	s25 =	simm.s32 $0x9FF0;
	v13 =	vadd.f32 v9, v62;
	v12 =	vadd.f32 v12, v63;
	v9 =	vld [tilespmem:s31+$0x0]  }
.LBB2_5:
0x90: {  	v14 =	vld [tilespmem:s25+$0xFFFFFFD0];
	v4 =	vadd.f32 v4, v11;
	v6 =	vadd.f32 v6, v10  }
0x91: {  	v10 =	vld [tilespmem:s25+$0xFFFFFFE0];
	v11 =	vadd.f32 v2, v13;
	v12 =	vadd.f32 v3, v12  }
0x92: {  	v2 =	vld [tilespmem:s25+$0xFFFFFF90];
	v4 =	vadd.f32 v5, v4;
	v5 =	vadd.f32 v8, v6  }
0x93: {  	v3 =	vld [tilespmem:s25+$0xFFFFFFA0];
	v6 =	vadd.f32 v0, v11;
	v8 =	vadd.f32 v1, v12  }
0x94: {  	v12 =	vld [tilespmem:s25+$0xFFFFFF50];
	v4 =	vadd.f32 v7, v4;
	v5 =	vadd.f32 v9, v5  }
0x95: {  	v9 =	vld [tilespmem:s25+$0xFFFFFF60];
	v0 =	vmov v14  }
0x96: {  	v7 =	vld [tilespmem:s25+$0xFFFFFF10];
	v1 =	vmov v10  }
0x97: {  	v10 =	vld [tilespmem:s25+$0xFFFFFF20]  }
0x98: {  	v11 =	vld [tilespmem:s25+$0xFFFFFED0]  }
0x99: {  	v13 =	vld [tilespmem:s25+$0xFFFFFEE0]  }
0x9a: {  	v14 =	vld [tilespmem:s25+$0xFFFFFE90]  }
0x9b: {  	v15 =	vld [tilespmem:s25+$0xFFFFFEA0]  }
0x9c: {  	v16 =	vld [tilespmem:s25+$0xFFFFFE50]  }
0x9d: {  	v17 =	vld [tilespmem:s25+$0xFFFFFE60]  }
0x9e: {  	v18 =	vld [tilespmem:s25+$0xFFFFFE10]  }
0x9f: {  	v19 =	vld [tilespmem:s25+$0xFFFFFE20]  }
0xa0: {  	v20 =	vld [tilespmem:s25+$0xFFFFFE30]  }
0xa1: {  	s24 =	sadd.s32 $0x8, s24;
	v21 =	vld [tilespmem:s25+$0xFFFFFE40]  }
0xa2: {  	p1 =	slt.u32 s24, $0xC8;
	v22 =	vld [tilespmem:s25+$0xFFFFFE70]  }
0xa3: {  	v23 =	vld [tilespmem:s25+$0xFFFFFE80]  }
0xa4: {  	v24 =	vld [tilespmem:s25+$0xFFFFFEB0]  }
0xa5: {  	v6 =	vadd.f32 v18, v6;
	v8 =	vadd.f32 v19, v8;
	v18 =	vld [tilespmem:s25+$0xFFFFFEC0]  }
0xa6: {  	v4 =	vadd.f32 v20, v4;
	v5 =	vadd.f32 v21, v5;
	v19 =	vld [tilespmem:s25+$0xFFFFFEF0]  }
0xa7: {  	v6 =	vadd.f32 v16, v6;
	v8 =	vadd.f32 v17, v8;
	v16 =	vld [tilespmem:s25+$0xFFFFFF00]  }
0xa8: {  	v4 =	vadd.f32 v22, v4;
	v5 =	vadd.f32 v23, v5;
	v17 =	vld [tilespmem:s25+$0xFFFFFF30]  }
0xa9: {  	v6 =	vadd.f32 v14, v6;
	v8 =	vadd.f32 v15, v8;
	v14 =	vld [tilespmem:s25+$0xFFFFFF40]  }
0xaa: {  	v15 =	vadd.f32 v24, v4;
	v5 =	vadd.f32 v18, v5;
	v4 =	vld [tilespmem:s25+$0xFFFFFF70]  }
.Ltmp3:
0xab: {  	v11 =	vadd.f32 v11, v6;
	v8 =	vadd.f32 v13, v8;
	v6 =	vld [tilespmem:s25+$0xFFFFFF80];
	(pc) =	sbr.rel @p1 .LBB2_5-.Ltmp3, $4  }
0xac: {  	v13 =	vadd.f32 v19, v15;
	v15 =	vadd.f32 v16, v5;
	v5 =	vld [tilespmem:s25+$0xFFFFFFB0]  }
0xad: {  	v16 =	vadd.f32 v7, v11;
	v18 =	vadd.f32 v10, v8;
	v8 =	vld [tilespmem:s25+$0xFFFFFFC0]  }
0xae: {  	v11 =	vadd.f32 v17, v13;
	v10 =	vadd.f32 v14, v15;
	v7 =	vld [tilespmem:s25+$0xFFFFFFF0]  }
0xaf: {  	v13 =	vadd.f32 v12, v16;
	v12 =	vadd.f32 v9, v18;
	v9 =	vld [tilespmem:s25+$0x0];
	s25 =	sadd.s32 $0x200, s25  }
0xb0: {  	_ = 	snop  }
0xb1: {  	v4 =	vadd.f32 v4, v11;
	v2 =	vadd.f32 v2, v13  }
0xb2: {  	v6 =	vadd.f32 v6, v10;
	v3 =	vadd.f32 v3, v12  }
0xb3: {  	v4 =	vadd.f32 v5, v4;
	v0 =	vadd.f32 v0, v2  }
0xb4: {  	v2 =	vadd.f32 v8, v6;
	v1 =	vadd.f32 v1, v3  }
0xb5: {  	v3 =	vadd.f32 v7, v4;
	[tilespmem:s22+$0x13840] =	vst v0  }
0xb6: {  	v0 =	vadd.f32 v9, v2;
	[tilespmem:s22+$0x13850] =	vst v1  }
0xb7: {  	[tilespmem:s22+$0x13860] =	vst v3  }
0xb8: {  	s24 =	sadd.s32 @!p0 $0x410, s23;
	s25 =	simm.s32 @!p0 $0xD0;
	s26 =	simm.s32 @!p0 $0x9C00;
	[tilespmem:s22+$0x13870] =	vst v0  }
0xb9: {  	[tilespmem:s26], [sflag:$0x2] =	stream.indirect.gather @!p0 [hbm4b:s3+s25], $0x40, s24, s25, $0xb8;
	[tilespmem:$0x15800] =	vst v63  }
0xba: {  	_ =	swait.ge [sflag:s17], $0x3400  }
0xbb: {  	[sflag:s17] =	ssyncset.done $0x0  }
0xbc: {  	s31 =	simm.s32 $0xD000;
	[sflag:s17] =	ssyncadd.s32 $0xFFFFCC00  }
0xbd: {  	v0 =	vld [tilespmem:s31+$0x1C0]  }
0xbe: {  	v1 =	vld [tilespmem:s31+$0x1D0]  }
0xbf: {  	v2 =	vld [tilespmem:s31+$0x180]  }
0xc0: {  	v3 =	vld [tilespmem:s31+$0x190]  }
0xc1: {  	v9 =	vld [tilespmem:s31+$0x140]  }
0xc2: {  	v12 =	vld [tilespmem:s31+$0x150]  }
0xc3: {  	v7 =	vld [tilespmem:s31+$0x100]  }
0xc4: {  	v8 =	vld [tilespmem:s31+$0x110]  }
0xc5: {  	v5 =	vld [tilespmem:s31+$0xC0]  }
0xc6: {  	v6 =	vld [tilespmem:s31+$0xD0]  }
0xc7: {  	v4 =	vld [tilespmem:s31+$0x80]  }
0xc8: {  	v10 =	vld [tilespmem:s31+$0x90]  }
0xc9: {  	v11 =	vld [tilespmem:s31+$0x40]  }
0xca: {  	v13 =	vld [tilespmem:s31+$0x50]  }
0xcb: {  	v14 =	vld [tilespmem:s31+$0x0]  }
0xcc: {  	v15 =	vld [tilespmem:s31+$0x10]  }
0xcd: {  	v16 =	vld [tilespmem:s31+$0x20]  }
0xce: {  	v17 =	vld [tilespmem:s31+$0x30]  }
0xcf: {  	v18 =	vld [tilespmem:s31+$0x60]  }
0xd0: {  	v19 =	vld [tilespmem:s31+$0x70]  }
0xd1: {  	v20 =	vimm.f32 $0.0e+00;
	v21 =	vld [tilespmem:s31+$0xA0]  }
0xd2: {  	v22 =	vld [tilespmem:s31+$0xB0];
	v14 =	vadd.f32 v14, v20;
	v15 =	vadd.f32 v15, v20  }
0xd3: {  	v59 =	vld [tilespmem:s31+$0xE0];
	v16 =	vadd.f32 v16, v20;
	v17 =	vadd.f32 v17, v20  }
0xd4: {  	v11 =	vadd.f32 v11, v14;
	v13 =	vadd.f32 v13, v15;
	v14 =	vld [tilespmem:s31+$0xF0]  }
0xd5: {  	v61 =	vld [tilespmem:s31+$0x120];
	v15 =	vadd.f32 v18, v16;
	v60 =	vadd.f32 v19, v17  }
0xd6: {  	v11 =	vadd.f32 v4, v11;
	v10 =	vadd.f32 v10, v13;
	v13 =	vld [tilespmem:s31+$0x130]  }
0xd7: {  	v15 =	vadd.f32 v21, v15;
	v16 =	vadd.f32 v22, v60;
	v4 =	vld [tilespmem:s31+$0x160]  }
0xd8: {  	v11 =	vadd.f32 v5, v11;
	v10 =	vadd.f32 v6, v10;
	v6 =	vld [tilespmem:s31+$0x170]  }
0xd9: {  	v15 =	vadd.f32 v59, v15;
	v5 =	vld [tilespmem:s31+$0x1A0];
	v14 =	vadd.f32 v14, v16  }
0xda: {  	v62 =	vadd.f32 v7, v11;
	v63 =	vadd.f32 v8, v10;
	v8 =	vld [tilespmem:s31+$0x1B0]  }
0xdb: {  	v11 =	vadd.f32 v61, v15;
	v7 =	vld [tilespmem:s31+$0x1E0];
	v10 =	vadd.f32 v13, v14  }
0xdc: {  	s24 =	simm.s32 $0x0;
	s25 =	simm.s32 $0xD200;
	v13 =	vadd.f32 v9, v62;
	v12 =	vadd.f32 v12, v63;
	v9 =	vld [tilespmem:s31+$0x1F0]  }
.LBB2_7:
0xdd: {  	v14 =	vld [tilespmem:s25+$0x1C0];
	v4 =	vadd.f32 v4, v11;
	v6 =	vadd.f32 v6, v10  }
0xde: {  	v10 =	vld [tilespmem:s25+$0x1D0];
	v11 =	vadd.f32 v2, v13;
	v12 =	vadd.f32 v3, v12  }
0xdf: {  	v2 =	vld [tilespmem:s25+$0x180];
	v4 =	vadd.f32 v5, v4;
	v5 =	vadd.f32 v8, v6  }
0xe0: {  	v3 =	vld [tilespmem:s25+$0x190];
	v6 =	vadd.f32 v0, v11;
	v8 =	vadd.f32 v1, v12  }
0xe1: {  	v12 =	vld [tilespmem:s25+$0x140];
	v4 =	vadd.f32 v7, v4;
	v5 =	vadd.f32 v9, v5  }
0xe2: {  	v9 =	vld [tilespmem:s25+$0x150];
	v0 =	vmov v14  }
0xe3: {  	v7 =	vld [tilespmem:s25+$0x100];
	v1 =	vmov v10  }
0xe4: {  	v10 =	vld [tilespmem:s25+$0x110]  }
0xe5: {  	v11 =	vld [tilespmem:s25+$0xC0]  }
0xe6: {  	v13 =	vld [tilespmem:s25+$0xD0]  }
0xe7: {  	v14 =	vld [tilespmem:s25+$0x80]  }
0xe8: {  	v15 =	vld [tilespmem:s25+$0x90]  }
0xe9: {  	v16 =	vld [tilespmem:s25+$0x40]  }
0xea: {  	v17 =	vld [tilespmem:s25+$0x50]  }
0xeb: {  	v18 =	vld [tilespmem:s25+$0x0]  }
0xec: {  	v19 =	vld [tilespmem:s25+$0x10]  }
0xed: {  	v20 =	vld [tilespmem:s25+$0x20]  }
0xee: {  	s24 =	sadd.s32 $0x8, s24;
	v21 =	vld [tilespmem:s25+$0x30]  }
0xef: {  	p1 =	slt.u32 s24, $0xC8;
	v22 =	vld [tilespmem:s25+$0x60]  }
0xf0: {  	v23 =	vld [tilespmem:s25+$0x70]  }
0xf1: {  	v24 =	vld [tilespmem:s25+$0xA0]  }
0xf2: {  	v6 =	vadd.f32 v18, v6;
	v8 =	vadd.f32 v19, v8;
	v18 =	vld [tilespmem:s25+$0xB0]  }
0xf3: {  	v4 =	vadd.f32 v20, v4;
	v5 =	vadd.f32 v21, v5;
	v19 =	vld [tilespmem:s25+$0xE0]  }
0xf4: {  	v6 =	vadd.f32 v16, v6;
	v8 =	vadd.f32 v17, v8;
	v16 =	vld [tilespmem:s25+$0xF0]  }
0xf5: {  	v4 =	vadd.f32 v22, v4;
	v5 =	vadd.f32 v23, v5;
	v17 =	vld [tilespmem:s25+$0x120]  }
0xf6: {  	v6 =	vadd.f32 v14, v6;
	v8 =	vadd.f32 v15, v8;
	v14 =	vld [tilespmem:s25+$0x130]  }
0xf7: {  	v15 =	vadd.f32 v24, v4;
	v5 =	vadd.f32 v18, v5;
	v4 =	vld [tilespmem:s25+$0x160]  }
.Ltmp4:
0xf8: {  	v11 =	vadd.f32 v11, v6;
	v8 =	vadd.f32 v13, v8;
	v6 =	vld [tilespmem:s25+$0x170];
	(pc) =	sbr.rel @p1 .LBB2_7-.Ltmp4, $4  }
0xf9: {  	v13 =	vadd.f32 v19, v15;
	v15 =	vadd.f32 v16, v5;
	v5 =	vld [tilespmem:s25+$0x1A0]  }
0xfa: {  	v16 =	vadd.f32 v7, v11;
	v18 =	vadd.f32 v10, v8;
	v8 =	vld [tilespmem:s25+$0x1B0]  }
0xfb: {  	v11 =	vadd.f32 v17, v13;
	v10 =	vadd.f32 v14, v15;
	v7 =	vld [tilespmem:s25+$0x1E0]  }
0xfc: {  	v13 =	vadd.f32 v12, v16;
	v12 =	vadd.f32 v9, v18;
	v9 =	vld [tilespmem:s25+$0x1F0];
	s25 =	sadd.s32 $0x200, s25  }
0xfd: {  	_ = 	snop  }
0xfe: {  	v4 =	vadd.f32 v4, v11;
	v2 =	vadd.f32 v2, v13  }
0xff: {  	v6 =	vadd.f32 v6, v10;
	v3 =	vadd.f32 v3, v12  }
0x100: {  	v4 =	vadd.f32 v5, v4;
	v0 =	vadd.f32 v0, v2  }
0x101: {  	v2 =	vadd.f32 v8, v6;
	v1 =	vadd.f32 v1, v3  }
0x102: {  	v3 =	vadd.f32 v7, v4;
	[tilespmem:s22+$0x13880] =	vst v0  }
0x103: {  	v0 =	vadd.f32 v9, v2;
	[tilespmem:s22+$0x13890] =	vst v1  }
0x104: {  	[tilespmem:s22+$0x138A0] =	vst v3  }
0x105: {  	s23 =	sadd.s32 @!p0 $0x4E0, s23;
	s24 =	simm.s32 @!p0 $0xD0;
	s25 =	simm.s32 @!p0 $0xD000;
	[tilespmem:s22+$0x138B0] =	vst v0  }
0x106: {  	[tilespmem:s25], [sflag:$0x3] =	stream.indirect.gather @!p0 [hbm4b:s3+s24], $0x40, s23, s24, $0xb8;
	[tilespmem:$0x15800] =	vst v63  }
0x107: {  	_ =	swait.ge [sflag:s18], $0x3400  }
0x108: {  	[sflag:s18] =	ssyncset.done $0x0  }
0x109: {  	s31 =	simm.s32 $0x10400;
	[sflag:s18] =	ssyncadd.s32 $0xFFFFCC00  }
0x10a: {  	v0 =	vld [tilespmem:s31+$0x1C0]  }
0x10b: {  	v1 =	vld [tilespmem:s31+$0x1D0]  }
0x10c: {  	v2 =	vld [tilespmem:s31+$0x180]  }
0x10d: {  	v3 =	vld [tilespmem:s31+$0x190]  }
0x10e: {  	v9 =	vld [tilespmem:s31+$0x140]  }
0x10f: {  	v12 =	vld [tilespmem:s31+$0x150]  }
0x110: {  	v7 =	vld [tilespmem:s31+$0x100]  }
0x111: {  	v8 =	vld [tilespmem:s31+$0x110]  }
0x112: {  	v5 =	vld [tilespmem:s31+$0xC0]  }
0x113: {  	v6 =	vld [tilespmem:s31+$0xD0]  }
0x114: {  	v4 =	vld [tilespmem:s31+$0x80]  }
0x115: {  	v10 =	vld [tilespmem:s31+$0x90]  }
0x116: {  	v11 =	vld [tilespmem:s31+$0x40]  }
0x117: {  	v13 =	vld [tilespmem:s31+$0x50]  }
0x118: {  	v14 =	vld [tilespmem:s31+$0x0]  }
0x119: {  	v15 =	vld [tilespmem:s31+$0x10]  }
0x11a: {  	v16 =	vld [tilespmem:s31+$0x20]  }
0x11b: {  	v17 =	vld [tilespmem:s31+$0x30]  }
0x11c: {  	v18 =	vld [tilespmem:s31+$0x60]  }
0x11d: {  	v19 =	vld [tilespmem:s31+$0x70]  }
0x11e: {  	v20 =	vimm.f32 $0.0e+00;
	v21 =	vld [tilespmem:s31+$0xA0]  }
0x11f: {  	v22 =	vld [tilespmem:s31+$0xB0];
	v14 =	vadd.f32 v14, v20;
	v15 =	vadd.f32 v15, v20  }
0x120: {  	v59 =	vld [tilespmem:s31+$0xE0];
	v16 =	vadd.f32 v16, v20;
	v17 =	vadd.f32 v17, v20  }
0x121: {  	v11 =	vadd.f32 v11, v14;
	v13 =	vadd.f32 v13, v15;
	v14 =	vld [tilespmem:s31+$0xF0]  }
0x122: {  	v61 =	vld [tilespmem:s31+$0x120];
	v15 =	vadd.f32 v18, v16;
	v60 =	vadd.f32 v19, v17  }
0x123: {  	v11 =	vadd.f32 v4, v11;
	v10 =	vadd.f32 v10, v13;
	v13 =	vld [tilespmem:s31+$0x130]  }
0x124: {  	v15 =	vadd.f32 v21, v15;
	v16 =	vadd.f32 v22, v60;
	v4 =	vld [tilespmem:s31+$0x160]  }
0x125: {  	v11 =	vadd.f32 v5, v11;
	v10 =	vadd.f32 v6, v10;
	v6 =	vld [tilespmem:s31+$0x170]  }
0x126: {  	v15 =	vadd.f32 v59, v15;
	v5 =	vld [tilespmem:s31+$0x1A0];
	v14 =	vadd.f32 v14, v16  }
0x127: {  	v62 =	vadd.f32 v7, v11;
	v63 =	vadd.f32 v8, v10;
	v8 =	vld [tilespmem:s31+$0x1B0]  }
0x128: {  	v11 =	vadd.f32 v61, v15;
	v7 =	vld [tilespmem:s31+$0x1E0];
	v10 =	vadd.f32 v13, v14  }
0x129: {  	s23 =	simm.s32 $0x0;
	s24 =	simm.s32 $0x10600;
	v13 =	vadd.f32 v9, v62;
	v12 =	vadd.f32 v12, v63;
	v9 =	vld [tilespmem:s31+$0x1F0]  }
.LBB2_9:
0x12a: {  	v14 =	vld [tilespmem:s24+$0x1C0];
	v4 =	vadd.f32 v4, v11;
	v6 =	vadd.f32 v6, v10  }
0x12b: {  	v10 =	vld [tilespmem:s24+$0x1D0];
	v11 =	vadd.f32 v2, v13;
	v12 =	vadd.f32 v3, v12  }
0x12c: {  	v2 =	vld [tilespmem:s24+$0x180];
	v4 =	vadd.f32 v5, v4;
	v5 =	vadd.f32 v8, v6  }
0x12d: {  	v3 =	vld [tilespmem:s24+$0x190];
	v6 =	vadd.f32 v0, v11;
	v8 =	vadd.f32 v1, v12  }
0x12e: {  	v12 =	vld [tilespmem:s24+$0x140];
	v4 =	vadd.f32 v7, v4;
	v5 =	vadd.f32 v9, v5  }
0x12f: {  	v9 =	vld [tilespmem:s24+$0x150];
	v0 =	vmov v14  }
0x130: {  	v7 =	vld [tilespmem:s24+$0x100];
	v1 =	vmov v10  }
0x131: {  	v10 =	vld [tilespmem:s24+$0x110]  }
0x132: {  	v11 =	vld [tilespmem:s24+$0xC0]  }
0x133: {  	v13 =	vld [tilespmem:s24+$0xD0]  }
0x134: {  	v14 =	vld [tilespmem:s24+$0x80]  }
0x135: {  	v15 =	vld [tilespmem:s24+$0x90]  }
0x136: {  	v16 =	vld [tilespmem:s24+$0x40]  }
0x137: {  	v17 =	vld [tilespmem:s24+$0x50]  }
0x138: {  	v18 =	vld [tilespmem:s24+$0x0]  }
0x139: {  	v19 =	vld [tilespmem:s24+$0x10]  }
0x13a: {  	v20 =	vld [tilespmem:s24+$0x20]  }
0x13b: {  	s23 =	sadd.s32 $0x8, s23;
	v21 =	vld [tilespmem:s24+$0x30]  }
0x13c: {  	p1 =	slt.u32 s23, $0xC8;
	v22 =	vld [tilespmem:s24+$0x60]  }
0x13d: {  	v23 =	vld [tilespmem:s24+$0x70]  }
0x13e: {  	v24 =	vld [tilespmem:s24+$0xA0]  }
0x13f: {  	v6 =	vadd.f32 v18, v6;
	v8 =	vadd.f32 v19, v8;
	v18 =	vld [tilespmem:s24+$0xB0]  }
0x140: {  	v4 =	vadd.f32 v20, v4;
	v5 =	vadd.f32 v21, v5;
	v19 =	vld [tilespmem:s24+$0xE0]  }
0x141: {  	v6 =	vadd.f32 v16, v6;
	v8 =	vadd.f32 v17, v8;
	v16 =	vld [tilespmem:s24+$0xF0]  }
0x142: {  	v4 =	vadd.f32 v22, v4;
	v5 =	vadd.f32 v23, v5;
	v17 =	vld [tilespmem:s24+$0x120]  }
0x143: {  	v6 =	vadd.f32 v14, v6;
	v8 =	vadd.f32 v15, v8;
	v14 =	vld [tilespmem:s24+$0x130]  }
0x144: {  	v15 =	vadd.f32 v24, v4;
	v5 =	vadd.f32 v18, v5;
	v4 =	vld [tilespmem:s24+$0x160]  }
.Ltmp5:
0x145: {  	v11 =	vadd.f32 v11, v6;
	v8 =	vadd.f32 v13, v8;
	v6 =	vld [tilespmem:s24+$0x170];
	(pc) =	sbr.rel @p1 .LBB2_9-.Ltmp5, $4  }
0x146: {  	v13 =	vadd.f32 v19, v15;
	v15 =	vadd.f32 v16, v5;
	v5 =	vld [tilespmem:s24+$0x1A0]  }
0x147: {  	v16 =	vadd.f32 v7, v11;
	v18 =	vadd.f32 v10, v8;
	v8 =	vld [tilespmem:s24+$0x1B0]  }
0x148: {  	v11 =	vadd.f32 v17, v13;
	v10 =	vadd.f32 v14, v15;
	v7 =	vld [tilespmem:s24+$0x1E0]  }
0x149: {  	v13 =	vadd.f32 v12, v16;
	v12 =	vadd.f32 v9, v18;
	v9 =	vld [tilespmem:s24+$0x1F0];
	s24 =	sadd.s32 $0x200, s24  }
0x14a: {  	_ = 	snop  }
0x14b: {  	v4 =	vadd.f32 v4, v11;
	v2 =	vadd.f32 v2, v13  }
0x14c: {  	v6 =	vadd.f32 v6, v10;
	v3 =	vadd.f32 v3, v12  }
0x14d: {  	v4 =	vadd.f32 v5, v4;
	v0 =	vadd.f32 v0, v2  }
.Ltmp6:
0x14e: {  	v61 =	vadd.f32 v8, v6;
	v1 =	vadd.f32 v1, v3;
	(pc) =	sbr.rel @p0 .LBB2_12-.Ltmp6, $4  }
0x14f: {  	v62 =	vadd.f32 v7, v4;
	[tilespmem:s22+$0x138C0] =	vst v0  }
0x150: {  	v63 =	vadd.f32 v9, v61;
	[tilespmem:s22+$0x138D0] =	vst v1  }
0x151: {  	[tilespmem:s22+$0x138E0] =	vst v62  }
0x152: {  	[tilespmem:s22+$0x138F0] =	vst v63  }
0x153: {  	s22 =	smul.u32 $0xD00, s21  }
.Ltmp7:
0x154: {  	_ = 	snop;
	(pc) =	sbr.rel .LBB2_2-.Ltmp7, $4  }
0x155: {  	_ = 	snop  }
0x156: {  	s22 =	sshra.s32 s22, $0x2  }
0x157: {  	s21 =	sadd.s32 $0x1, s21;
	s22 =	sadd.s32 $0x5B0, s22  }
0x158: {  	[tilespmem:s14], [sflag:$0x4] =	stream.indirect.gather [hbm4b:s3+s8], $0x40, s22, s8, $0xb8;
	[tilespmem:$0x15800] =	vst v63  }
.LBB2_13:
0x159: {  	_ =	sfence.sel $0x180000  }
0x15a: {  	[bflag:$0x0] =	sbarrier.arrive $0xFFFF  }
0x15b: {  	p0 =	sne.s32 s0, $0x0;
	_ =	strace $0x90000047  }
0x15c: {  	s0 =	sadd.s32 @!p0 $0x100000, s1;
	[bflag:$0x2] =	sbarrier.arrive $0xFFFF  }
0x15d: {  	[sflag:s0] =	ssyncadd.tile.s32 @!p0 $0x1;
	_ =	shalt  }
.Lfunc_end2:
_tile_overlayer_lowered:
.L_overlay_start_2:
0x15e: {  	(tag) =	ssettag $0x2  }
0x15f: {  	s0 =	rddreg [dreg:$0x0];
	s2 =	stileid.u32  }
0x160: {  	s1 =	rddreg [dreg:$0x1];
	p0 =	sne.s32 s2, $0x0  }
0x161: {  	s3 =	rddreg [dreg:$0x2];
	[bflag:$0x3] =	sbarrier.arrive $0xFFFF;
	s2 =	simm.s32 @!p0 $0x1C05  }
0x162: {  	[timem:s3], [sflag:s2] =	dma.local @!p0 [hbm:s0], s1  }
0x163: {  	s0 =	simm.s32 @!p0 $0x5  }
0x164: {  	_ =	swait.ge @!p0 [sflag:s0], s1  }
0x165: {  	s1 =	ssub.s32 @!p0 $0x0, s1;
	[sflag:s0] =	ssyncset.done @!p0 $0x0  }
0x166: {  	[sflag:s0] =	ssyncadd.s32 @!p0 s1  }
0x167: {  	[bflag:$0x3] =	sbarrier.arrive $0xFFFF  }
0x168: {  	_ =	shalt  }

</sc_bundles>
